<compile_context>
chip_gen: v7x
topology: tpu7x:2x2x1
jax: 0.10.2.dev20260603
libtpu: 0.0.44.dev20260713+nightly
codegen_flags: <defaults>
</compile_context>

<pallas_src>
import jax
import jax.numpy as jnp
from jax import lax
from jax.experimental import pallas as pl
from jax.experimental.pallas import tpu as pltpu
from jax.experimental.pallas import tpu_sc as plsc

N_EDGES = 320000
D_FEAT = 128
DST_SIZE = 10000

NC = 2
NS = 16
L = 16

CH = 128
N_CHUNKS = N_EDGES // CH
ROWS_PER_CORE = DST_SIZE // NC
ROWS_PER_TILE = (ROWS_PER_CORE // NS) // 8 * 8
DUMMY_ROW = ROWS_PER_CORE
ACC_ROWS = ROWS_PER_CORE + 8
LAST_TILE_ROWS = ROWS_PER_CORE - (NS - 1) * ROWS_PER_TILE


def _extract(vec, i):
    return jnp.sum(jnp.where(lax.iota(jnp.int32, L) == i, vec, 0))


def _sc_body(x_hbm, idx_hbm, bounds_hbm, zeros_hbm, out_hbm,
             bounds_v, idx_v, idx2_v, rows_v, acc):
    c = lax.axis_index("c")
    s = lax.axis_index("s")
    r0 = c * ROWS_PER_CORE

    @pl.when(s < NS - 1)
    def _():
        pltpu.sync_copy(zeros_hbm.at[pl.ds(0, ROWS_PER_TILE)],
                        acc.at[pl.ds(s * ROWS_PER_TILE, ROWS_PER_TILE)])

    @pl.when(s == NS - 1)
    def _():
        pltpu.sync_copy(zeros_hbm.at[pl.ds(0, LAST_TILE_ROWS)],
                        acc.at[pl.ds(s * ROWS_PER_TILE, LAST_TILE_ROWS)])

    pltpu.sync_copy(bounds_hbm, bounds_v)
    bvec = bounds_v[...]
    cs = jnp.where(c == 0, 0, bvec[2])
    ce = jnp.where(c == 0, bvec[1], bvec[3])

    plsc.subcore_barrier()

    def chunk_body(k, carry):
        j = cs + s + k * NS
        base = j * CH
        pltpu.sync_copy(x_hbm.at[pl.ds(base, CH)], rows_v)
        pltpu.sync_copy(idx_hbm.at[pl.ds(base, CH)], idx_v)
        for q in range(CH // L):
            v = jnp.minimum(idx_v[pl.ds(q * L, L)], DST_SIZE - 1)
            ok = (v >= r0) & (v < r0 + ROWS_PER_CORE)
            idx2_v[pl.ds(q * L, L)] = jnp.where(ok, v - r0, DUMMY_ROW)
        pltpu.sync_copy(rows_v, acc.at[idx2_v], add=True)
        return carry

    n_iter = jnp.maximum(ce - (cs + s) + NS - 1, 0) // NS
    lax.fori_loop(0, n_iter, chunk_body, 0)

    plsc.subcore_barrier()

    gbase = r0 + s * ROWS_PER_TILE

    @pl.when(s < NS - 1)
    def _():
        pltpu.sync_copy(acc.at[pl.ds(s * ROWS_PER_TILE, ROWS_PER_TILE)],
                        out_hbm.at[pl.ds(gbase, ROWS_PER_TILE)])

    @pl.when(s == NS - 1)
    def _():
        pltpu.sync_copy(acc.at[pl.ds(s * ROWS_PER_TILE, LAST_TILE_ROWS)],
                        out_hbm.at[pl.ds(gbase, LAST_TILE_ROWS)])


_segment_sum_sc = pl.kernel(
    _sc_body,
    out_type=jax.ShapeDtypeStruct((DST_SIZE, D_FEAT), jnp.float32),
    mesh=plsc.VectorSubcoreMesh(core_axis_name="c", subcore_axis_name="s"),
    scratch_types=[
        pltpu.VMEM((L,), jnp.int32),
        pltpu.VMEM((CH,), jnp.int32),
        pltpu.VMEM((CH,), jnp.int32),
        pltpu.VMEM((CH, D_FEAT), jnp.float32),
        pltpu.VMEM_SHARED((ACC_ROWS, D_FEAT), jnp.float32),
    ],
)


@jax.jit
def kernel(x, dst_idx, dst_size):
    del dst_size
    idx = dst_idx.astype(jnp.int32)
    split = jnp.searchsorted(idx, ROWS_PER_CORE).astype(jnp.int32)
    ce0 = (split + CH - 1) // CH
    cs1 = split // CH
    bounds = jnp.zeros((L,), jnp.int32)
    bounds = bounds.at[1].set(ce0)
    bounds = bounds.at[2].set(cs1)
    bounds = bounds.at[3].set(N_CHUNKS)
    zeros = jnp.zeros((LAST_TILE_ROWS, D_FEAT), jnp.float32)
    return _segment_sum_sc(x, idx, bounds, zeros)

# --- scband reference (transcript-rebuilt; emitter-appended) ---
"""Pipeline reference for scband-sum-pooling-39127152066611 (READ-ONLY COPY).

The authoritative reference and input builder live on the scoring server;
editing this copy changes nothing except your own understanding.
"""

import jax, jax.numpy as jnp
import numpy as np

N_EDGES = 320000
D_FEAT = 128
DST_SIZE = 10000


def setup_inputs(seed: int = 0) -> dict:
    key = jax.random.key(seed)
    kx, ki = jax.random.split(key)
    x = jax.random.normal(kx, (N_EDGES, D_FEAT), dtype=jnp.float32)
    dst_idx = jnp.sort(jax.random.randint(ki, (N_EDGES,), 0, DST_SIZE, dtype=jnp.int64))
    return {"x": x, "dst_idx": dst_idx, "dst_size": DST_SIZE}


def reference(x, dst_idx, dst_size):
    # segment_sum: scatter-add rows of x into dst_size output rows
    idx = jnp.minimum(dst_idx, dst_size - 1)
    out = jnp.zeros((DST_SIZE,) + x.shape[1:], dtype=x.dtype)
    out = out.at[idx].add(x)
    return out

if __name__ == "__main__":
    import jax
    _d = setup_inputs()
    print(jax.jit(kernel)(*tuple(_d.values())))

</pallas_src>

<mosaic_0001>
#map = affine_map<(d0, d1) -> (0, 0)>
#map1 = affine_map<(d0, d1) -> (0)>
module attributes {stable_mosaic.version = 14 : i64} {
  func.func @_sc_body(%arg0: i32, %arg1: i32, %arg2: memref<320000x128xf32, #tpu.memory_space<hbm>>, %arg3: memref<320000xi32, #tpu.memory_space<hbm>>, %arg4: memref<16xi32, #tpu.memory_space<hbm>>, %arg5: memref<320x128xf32, #tpu.memory_space<hbm>>, %arg6: memref<10000x128xf32, #tpu.memory_space<hbm>>, %arg7: memref<16xi32, #tpu.memory_space<vmem>>, %arg8: memref<128xi32, #tpu.memory_space<vmem>>, %arg9: memref<128xi32, #tpu.memory_space<vmem>>, %arg10: memref<128x128xf32, #tpu.memory_space<vmem>>, %arg11: memref<5008x128xf32, #tpu.memory_space<vmem_shared>>) attributes {dimension_semantics = [#tpu.dimension_semantics<core_parallel>, #tpu.dimension_semantics<subcore_parallel>], iteration_bounds = array<i64: 2, 16>, scalar_prefetch = 0 : i64, scratch_operands = 5 : i64, tpu.core_type = #tpu.core_type<sc_vector_subcore>, window_params = [{transform_indices = #map}, {transform_indices = #map1}, {transform_indices = #map1}, {transform_indices = #map}, {transform_indices = #map}]} {
    %mul3A = arith.constant 5000 : i32
    %mul3A_0 = arith.muli %arg0, %mul3A : i32
    %lt3A = arith.constant 15 : i32
    %lt3A_1 = arith.cmpi slt, %arg1, %lt3A : i32
    %convert_element_type3A = arith.extui %lt3A_1 : i1 to i32
    %cond3A = arith.constant 0 : i32
    %cond3A_2 = arith.cmpi ne, %convert_element_type3A, %cond3A : i32
    scf.if %cond3A_2 {
      %mul3A_65 = arith.constant 312 : i32
      %mul3A_66 = arith.muli %arg1, %mul3A_65 : i32
      "tpu.region"() ({
        %run_scoped3A = tpu.sem_alloc : memref<!tpu.dma_semaphore, #tpu.memory_space<semaphore_mem>>
        %dma_start3A = arith.constant 0 : i32
        %dma_start3A_67 = tpu.memref_slice %arg11[%mul3A_66, %dma_start3A] : memref<5008x128xf32, #tpu.memory_space<vmem_shared>> -> memref<312x128xf32, #tpu.memory_space<vmem_shared>>
        %dma_start3A_68 = arith.constant 0 : i32
        %dma_start3A_69 = arith.constant 0 : i32
        %dma_start3A_70 = tpu.memref_slice %arg5[%dma_start3A_68, %dma_start3A_69] : memref<320x128xf32, #tpu.memory_space<hbm>> -> memref<312x128xf32, #tpu.memory_space<hbm>>
        tpu.enqueue_dma source(%dma_start3A_70 : memref<312x128xf32, #tpu.memory_space<hbm>>) target(%dma_start3A_67 : memref<312x128xf32, #tpu.memory_space<vmem_shared>>) target_semaphore(%run_scoped3A : memref<!tpu.dma_semaphore, #tpu.memory_space<semaphore_mem>>)
        %dma_wait3A = arith.constant 0 : i32
        %dma_wait3A_71 = tpu.memref_slice %arg11[%mul3A_66, %dma_wait3A] : memref<5008x128xf32, #tpu.memory_space<vmem_shared>> -> memref<312x128xf32, #tpu.memory_space<vmem_shared>>
        %dma_wait3A_72 = arith.constant 0 : i32
        %dma_wait3A_73 = arith.constant 0 : i32
        %dma_wait3A_74 = tpu.memref_slice %arg5[%dma_wait3A_72, %dma_wait3A_73] : memref<320x128xf32, #tpu.memory_space<hbm>> -> memref<312x128xf32, #tpu.memory_space<hbm>>
        tpu.wait_dma2 semaphore(%run_scoped3A : memref<!tpu.dma_semaphore, #tpu.memory_space<semaphore_mem>>) src(%dma_wait3A_74 : memref<312x128xf32, #tpu.memory_space<hbm>>) dst(%dma_wait3A_71 : memref<312x128xf32, #tpu.memory_space<vmem_shared>>)
        tpu.yield
      }) : () -> ()
    } else {
    }
    %eq3A = arith.constant 15 : i32
    %eq3A_3 = arith.cmpi eq, %arg1, %eq3A : i32
    %convert_element_type3A_4 = arith.extui %eq3A_3 : i1 to i32
    %cond3A_5 = arith.constant 0 : i32
    %cond3A_6 = arith.cmpi ne, %convert_element_type3A_4, %cond3A_5 : i32
    scf.if %cond3A_6 {
      %mul3A_65 = arith.constant 312 : i32
      %mul3A_66 = arith.muli %arg1, %mul3A_65 : i32
      "tpu.region"() ({
        %run_scoped3A = tpu.sem_alloc : memref<!tpu.dma_semaphore, #tpu.memory_space<semaphore_mem>>
        %dma_start3A = arith.constant 0 : i32
        %dma_start3A_67 = tpu.memref_slice %arg11[%mul3A_66, %dma_start3A] : memref<5008x128xf32, #tpu.memory_space<vmem_shared>> -> memref<320x128xf32, #tpu.memory_space<vmem_shared>>
        %dma_start3A_68 = arith.constant 0 : i32
        %dma_start3A_69 = arith.constant 0 : i32
        %dma_start3A_70 = tpu.memref_slice %arg5[%dma_start3A_68, %dma_start3A_69] : memref<320x128xf32, #tpu.memory_space<hbm>> -> memref<320x128xf32, #tpu.memory_space<hbm>>
        tpu.enqueue_dma source(%dma_start3A_70 : memref<320x128xf32, #tpu.memory_space<hbm>>) target(%dma_start3A_67 : memref<320x128xf32, #tpu.memory_space<vmem_shared>>) target_semaphore(%run_scoped3A : memref<!tpu.dma_semaphore, #tpu.memory_space<semaphore_mem>>)
        %dma_wait3A = arith.constant 0 : i32
        %dma_wait3A_71 = tpu.memref_slice %arg11[%mul3A_66, %dma_wait3A] : memref<5008x128xf32, #tpu.memory_space<vmem_shared>> -> memref<320x128xf32, #tpu.memory_space<vmem_shared>>
        %dma_wait3A_72 = arith.constant 0 : i32
        %dma_wait3A_73 = arith.constant 0 : i32
        %dma_wait3A_74 = tpu.memref_slice %arg5[%dma_wait3A_72, %dma_wait3A_73] : memref<320x128xf32, #tpu.memory_space<hbm>> -> memref<320x128xf32, #tpu.memory_space<hbm>>
        tpu.wait_dma2 semaphore(%run_scoped3A : memref<!tpu.dma_semaphore, #tpu.memory_space<semaphore_mem>>) src(%dma_wait3A_74 : memref<320x128xf32, #tpu.memory_space<hbm>>) dst(%dma_wait3A_71 : memref<320x128xf32, #tpu.memory_space<vmem_shared>>)
        tpu.yield
      }) : () -> ()
    } else {
    }
    "tpu.region"() ({
      %run_scoped3A = tpu.sem_alloc : memref<!tpu.dma_semaphore, #tpu.memory_space<semaphore_mem>>
      tpu.enqueue_dma source(%arg4 : memref<16xi32, #tpu.memory_space<hbm>>) target(%arg7 : memref<16xi32, #tpu.memory_space<vmem>>) target_semaphore(%run_scoped3A : memref<!tpu.dma_semaphore, #tpu.memory_space<semaphore_mem>>)
      tpu.wait_dma2 semaphore(%run_scoped3A : memref<!tpu.dma_semaphore, #tpu.memory_space<semaphore_mem>>) src(%arg4 : memref<16xi32, #tpu.memory_space<hbm>>) dst(%arg7 : memref<16xi32, #tpu.memory_space<vmem>>)
      tpu.yield
    }) : () -> ()
    %get3A = arith.constant 0 : index
    %get3A_7 = tpu.vector_load %arg7[%get3A] {strides = array<i32>} : memref<16xi32, #tpu.memory_space<vmem>>, vector<16xi32>,
    %get3A_8 = vector.shape_cast %get3A_7 : vector<16xi32> to vector<16xi32>
    %eq3A_9 = arith.constant 0 : i32
    %eq3A_10 = arith.cmpi eq, %arg0, %eq3A_9 : i32
    %slice3A = vector.extract_strided_slice %get3A_8 {offsets = [2], sizes = [1], strides = [1]} : vector<16xi32> to vector<1xi32>
    %squeeze3A = vector.extract %slice3A[0] : i32 from vector<1xi32>
    %jit3A = arith.constant 0 : i32
    %select_n3A = arith.select %eq3A_10, %jit3A, %squeeze3A : i32
    %eq3A_11 = arith.constant 0 : i32
    %eq3A_12 = arith.cmpi eq, %arg0, %eq3A_11 : i32
    %slice3A_13 = vector.extract_strided_slice %get3A_8 {offsets = [1], sizes = [1], strides = [1]} : vector<16xi32> to vector<1xi32>
    %squeeze3A_14 = vector.extract %slice3A_13[0] : i32 from vector<1xi32>
    %slice3A_15 = vector.extract_strided_slice %get3A_8 {offsets = [3], sizes = [1], strides = [1]} : vector<16xi32> to vector<1xi32>
    %squeeze3A_16 = vector.extract %slice3A_15[0] : i32 from vector<1xi32>
    %select_n3A_17 = arith.select %eq3A_12, %squeeze3A_14, %squeeze3A_16 : i32
    %barrier3A = arith.constant 0 : index
    tpu.barrier barrier_id(%barrier3A)
    %add3A = arith.addi %select_n3A, %arg1 : i32
    %sub3A = arith.subi %select_n3A_17, %add3A : i32
    %add3A_18 = arith.constant 16 : i32
    %add3A_19 = arith.addi %sub3A, %add3A_18 : i32
    %sub3A_20 = arith.constant 1 : i32
    %sub3A_21 = arith.subi %add3A_19, %sub3A_20 : i32
    %max3A = arith.constant 0 : i32
    %max3A_22 = arith.maxsi %sub3A_21, %max3A : i32
    %jit3A_23 = arith.constant 16 : i32
    %div3A = arith.divsi %max3A_22, %jit3A_23 : i32
    %sign3A = arith.constant 0 : i32
    %sign3A_24 = arith.cmpi sgt, %max3A_22, %sign3A : i32
    %sign3A_25 = arith.extui %sign3A_24 : i1 to i32
    %sign3A_26 = arith.constant 0 : i32
    %sign3A_27 = arith.cmpi slt, %max3A_22, %sign3A_26 : i32
    %sign3A_28 = arith.extui %sign3A_27 : i1 to i32
    %sign3A_29 = arith.subi %sign3A_25, %sign3A_28 : i32
    %sign3A_30 = arith.constant 0 : i32
    %sign3A_31 = arith.cmpi sgt, %jit3A_23, %sign3A_30 : i32
    %sign3A_32 = arith.extui %sign3A_31 : i1 to i32
    %sign3A_33 = arith.constant 0 : i32
    %sign3A_34 = arith.cmpi slt, %jit3A_23, %sign3A_33 : i32
    %sign3A_35 = arith.extui %sign3A_34 : i1 to i32
    %sign3A_36 = arith.subi %sign3A_32, %sign3A_35 : i32
    %ne3A = arith.cmpi ne, %sign3A_29, %sign3A_36 : i32
    %rem3A = arith.remsi %max3A_22, %jit3A_23 : i32
    %ne3A_37 = arith.constant 0 : i32
    %ne3A_38 = arith.cmpi ne, %rem3A, %ne3A_37 : i32
    %and3A = arith.andi %ne3A, %ne3A_38 : i1
    %sub3A_39 = arith.constant 1 : i32
    %sub3A_40 = arith.subi %div3A, %sub3A_39 : i32
    %select_n3A_41 = arith.select %and3A, %sub3A_40, %div3A : i32
    %while3A = arith.constant 0 : i32
    %while3A_42 = arith.constant 0 : i32
    %while3A_43 = arith.subi %select_n3A_41, %while3A_42 : i32
    %while3A_44 = arith.addi %while3A_42, %while3A_43 : i32
    %while3A_45 = arith.constant 1 : i32
    %while3A_46 = arith.divsi %while3A_43, %while3A_45 : i32
    %while3A_47 = arith.muli %while3A_46, %while3A_45 : i32
    %while3A_48 = arith.addi %while3A_42, %while3A_47 : i32
    %while3A_49 = arith.constant 1 : i32
    scf.for %while3A_65 = %while3A_42 to %while3A_48 step %while3A_49  : i32 {
      %add3A_66 = arith.addi %select_n3A, %arg1 : i32
      %mul3A_67 = arith.constant 16 : i32
      %mul3A_68 = arith.muli %while3A_65, %mul3A_67 : i32
      %add3A_69 = arith.addi %add3A_66, %mul3A_68 : i32
      %mul3A_70 = arith.constant 128 : i32
      %mul3A_71 = arith.muli %add3A_69, %mul3A_70 : i32
      "tpu.region"() ({
        %run_scoped3A = tpu.sem_alloc : memref<!tpu.dma_semaphore, #tpu.memory_space<semaphore_mem>>
        %dma_start3A = arith.constant 0 : i32
        %dma_start3A_244 = tpu.memref_slice %arg2[%mul3A_71, %dma_start3A] : memref<320000x128xf32, #tpu.memory_space<hbm>> -> memref<128x128xf32, #tpu.memory_space<hbm>>
        %dma_start3A_245 = arith.constant 0 : i32
        %dma_start3A_246 = tpu.memref_slice %arg2[%mul3A_71, %dma_start3A_245] : memref<320000x128xf32, #tpu.memory_space<hbm>> -> memref<128x128xf32, #tpu.memory_space<hbm>>
        tpu.enqueue_dma source(%dma_start3A_246 : memref<128x128xf32, #tpu.memory_space<hbm>>) target(%arg10 : memref<128x128xf32, #tpu.memory_space<vmem>>) target_semaphore(%run_scoped3A : memref<!tpu.dma_semaphore, #tpu.memory_space<semaphore_mem>>)
        %dma_wait3A = arith.constant 0 : i32
        %dma_wait3A_247 = tpu.memref_slice %arg2[%mul3A_71, %dma_wait3A] : memref<320000x128xf32, #tpu.memory_space<hbm>> -> memref<128x128xf32, #tpu.memory_space<hbm>>
        %dma_wait3A_248 = arith.constant 0 : i32
        %dma_wait3A_249 = tpu.memref_slice %arg2[%mul3A_71, %dma_wait3A_248] : memref<320000x128xf32, #tpu.memory_space<hbm>> -> memref<128x128xf32, #tpu.memory_space<hbm>>
        tpu.wait_dma2 semaphore(%run_scoped3A : memref<!tpu.dma_semaphore, #tpu.memory_space<semaphore_mem>>) src(%dma_wait3A_249 : memref<128x128xf32, #tpu.memory_space<hbm>>) dst(%arg10 : memref<128x128xf32, #tpu.memory_space<vmem>>)
        tpu.yield
      }) : () -> ()
      "tpu.region"() ({
        %run_scoped3A = tpu.sem_alloc : memref<!tpu.dma_semaphore, #tpu.memory_space<semaphore_mem>>
        %dma_start3A = tpu.memref_slice %arg3[%mul3A_71] : memref<320000xi32, #tpu.memory_space<hbm>> -> memref<128xi32, #tpu.memory_space<hbm>>
        %dma_start3A_244 = tpu.memref_slice %arg3[%mul3A_71] : memref<320000xi32, #tpu.memory_space<hbm>> -> memref<128xi32, #tpu.memory_space<hbm>>
        tpu.enqueue_dma source(%dma_start3A_244 : memref<128xi32, #tpu.memory_space<hbm>>) target(%arg8 : memref<128xi32, #tpu.memory_space<vmem>>) target_semaphore(%run_scoped3A : memref<!tpu.dma_semaphore, #tpu.memory_space<semaphore_mem>>)
        %dma_wait3A = tpu.memref_slice %arg3[%mul3A_71] : memref<320000xi32, #tpu.memory_space<hbm>> -> memref<128xi32, #tpu.memory_space<hbm>>
        %dma_wait3A_245 = tpu.memref_slice %arg3[%mul3A_71] : memref<320000xi32, #tpu.memory_space<hbm>> -> memref<128xi32, #tpu.memory_space<hbm>>
        tpu.wait_dma2 semaphore(%run_scoped3A : memref<!tpu.dma_semaphore, #tpu.memory_space<semaphore_mem>>) src(%dma_wait3A_245 : memref<128xi32, #tpu.memory_space<hbm>>) dst(%arg8 : memref<128xi32, #tpu.memory_space<vmem>>)
        tpu.yield
      }) : () -> ()
      %get3A_72 = arith.constant 0 : index
      %get3A_73 = tpu.vector_load %arg8[%get3A_72] {strides = array<i32>} : memref<128xi32, #tpu.memory_space<vmem>>, vector<16xi32>,
      %get3A_74 = vector.shape_cast %get3A_73 : vector<16xi32> to vector<16xi32>
      %min3A = arith.constant 9999 : i32
      %min3A_75 = vector.broadcast %min3A : i32 to vector<16xi32>
      %min3A_76 = arith.minsi %get3A_74, %min3A_75 : vector<16xi32>
      %ge3A = vector.broadcast %mul3A_0 : i32 to vector<16xi32>
      %ge3A_77 = arith.cmpi sge, %min3A_76, %ge3A : vector<16xi32>
      %add3A_78 = arith.constant 5000 : i32
      %add3A_79 = arith.addi %mul3A_0, %add3A_78 : i32
      %lt3A_80 = vector.broadcast %add3A_79 : i32 to vector<16xi32>
      %lt3A_81 = arith.cmpi slt, %min3A_76, %lt3A_80 : vector<16xi32>
      %and3A_82 = arith.andi %ge3A_77, %lt3A_81 : vector<16xi1>
      %sub3A_83 = vector.broadcast %mul3A_0 : i32 to vector<16xi32>
      %sub3A_84 = arith.subi %min3A_76, %sub3A_83 : vector<16xi32>
      %jit3A_85 = arith.constant 5000 : i32
      %broadcast_in_dim3A = vector.broadcast %jit3A_85 : i32 to vector<16xi32>
      %select_n3A_86 = arith.select %and3A_82, %sub3A_84, %broadcast_in_dim3A : vector<16xi1>, vector<16xi32>
      %swap3A = arith.constant 0 : index
      %swap3A_87 = tpu.vector_load %arg9[%swap3A] {strides = array<i32>} : memref<128xi32, #tpu.memory_space<vmem>>, vector<16xi32>,
      %swap3A_88 = vector.shape_cast %swap3A_87 : vector<16xi32> to vector<16xi32>
      %swap3A_89 = vector.shape_cast %select_n3A_86 : vector<16xi32> to vector<16xi32>
      tpu.vector_store %arg9[%swap3A], %swap3A_89 {strides = array<i32>} : memref<128xi32, #tpu.memory_space<vmem>>, vector<16xi32>,
      %get3A_90 = arith.constant 16 : index
      %get3A_91 = tpu.vector_load %arg8[%get3A_90] {strides = array<i32>} : memref<128xi32, #tpu.memory_space<vmem>>, vector<16xi32>,
      %get3A_92 = vector.shape_cast %get3A_91 : vector<16xi32> to vector<16xi32>
      %min3A_93 = arith.constant 9999 : i32
      %min3A_94 = vector.broadcast %min3A_93 : i32 to vector<16xi32>
      %min3A_95 = arith.minsi %get3A_92, %min3A_94 : vector<16xi32>
      %ge3A_96 = vector.broadcast %mul3A_0 : i32 to vector<16xi32>
      %ge3A_97 = arith.cmpi sge, %min3A_95, %ge3A_96 : vector<16xi32>
      %add3A_98 = arith.constant 5000 : i32
      %add3A_99 = arith.addi %mul3A_0, %add3A_98 : i32
      %lt3A_100 = vector.broadcast %add3A_99 : i32 to vector<16xi32>
      %lt3A_101 = arith.cmpi slt, %min3A_95, %lt3A_100 : vector<16xi32>
      %and3A_102 = arith.andi %ge3A_97, %lt3A_101 : vector<16xi1>
      %sub3A_103 = vector.broadcast %mul3A_0 : i32 to vector<16xi32>
      %sub3A_104 = arith.subi %min3A_95, %sub3A_103 : vector<16xi32>
      %jit3A_105 = arith.constant 5000 : i32
      %broadcast_in_dim3A_106 = vector.broadcast %jit3A_105 : i32 to vector<16xi32>
      %select_n3A_107 = arith.select %and3A_102, %sub3A_104, %broadcast_in_dim3A_106 : vector<16xi1>, vector<16xi32>
      %swap3A_108 = arith.constant 16 : index
      %swap3A_109 = tpu.vector_load %arg9[%swap3A_108] {strides = array<i32>} : memref<128xi32, #tpu.memory_space<vmem>>, vector<16xi32>,
      %swap3A_110 = vector.shape_cast %swap3A_109 : vector<16xi32> to vector<16xi32>
      %swap3A_111 = vector.shape_cast %select_n3A_107 : vector<16xi32> to vector<16xi32>
      tpu.vector_store %arg9[%swap3A_108], %swap3A_111 {strides = array<i32>} : memref<128xi32, #tpu.memory_space<vmem>>, vector<16xi32>,
      %get3A_112 = arith.constant 32 : index
      %get3A_113 = tpu.vector_load %arg8[%get3A_112] {strides = array<i32>} : memref<128xi32, #tpu.memory_space<vmem>>, vector<16xi32>,
      %get3A_114 = vector.shape_cast %get3A_113 : vector<16xi32> to vector<16xi32>
      %min3A_115 = arith.constant 9999 : i32
      %min3A_116 = vector.broadcast %min3A_115 : i32 to vector<16xi32>
      %min3A_117 = arith.minsi %get3A_114, %min3A_116 : vector<16xi32>
      %ge3A_118 = vector.broadcast %mul3A_0 : i32 to vector<16xi32>
      %ge3A_119 = arith.cmpi sge, %min3A_117, %ge3A_118 : vector<16xi32>
      %add3A_120 = arith.constant 5000 : i32
      %add3A_121 = arith.addi %mul3A_0, %add3A_120 : i32
      %lt3A_122 = vector.broadcast %add3A_121 : i32 to vector<16xi32>
      %lt3A_123 = arith.cmpi slt, %min3A_117, %lt3A_122 : vector<16xi32>
      %and3A_124 = arith.andi %ge3A_119, %lt3A_123 : vector<16xi1>
      %sub3A_125 = vector.broadcast %mul3A_0 : i32 to vector<16xi32>
      %sub3A_126 = arith.subi %min3A_117, %sub3A_125 : vector<16xi32>
      %jit3A_127 = arith.constant 5000 : i32
      %broadcast_in_dim3A_128 = vector.broadcast %jit3A_127 : i32 to vector<16xi32>
      %select_n3A_129 = arith.select %and3A_124, %sub3A_126, %broadcast_in_dim3A_128 : vector<16xi1>, vector<16xi32>
      %swap3A_130 = arith.constant 32 : index
      %swap3A_131 = tpu.vector_load %arg9[%swap3A_130] {strides = array<i32>} : memref<128xi32, #tpu.memory_space<vmem>>, vector<16xi32>,
      %swap3A_132 = vector.shape_cast %swap3A_131 : vector<16xi32> to vector<16xi32>
      %swap3A_133 = vector.shape_cast %select_n3A_129 : vector<16xi32> to vector<16xi32>
      tpu.vector_store %arg9[%swap3A_130], %swap3A_133 {strides = array<i32>} : memref<128xi32, #tpu.memory_space<vmem>>, vector<16xi32>,
      %get3A_134 = arith.constant 48 : index
      %get3A_135 = tpu.vector_load %arg8[%get3A_134] {strides = array<i32>} : memref<128xi32, #tpu.memory_space<vmem>>, vector<16xi32>,
      %get3A_136 = vector.shape_cast %get3A_135 : vector<16xi32> to vector<16xi32>
      %min3A_137 = arith.constant 9999 : i32
      %min3A_138 = vector.broadcast %min3A_137 : i32 to vector<16xi32>
      %min3A_139 = arith.minsi %get3A_136, %min3A_138 : vector<16xi32>
      %ge3A_140 = vector.broadcast %mul3A_0 : i32 to vector<16xi32>
      %ge3A_141 = arith.cmpi sge, %min3A_139, %ge3A_140 : vector<16xi32>
      %add3A_142 = arith.constant 5000 : i32
      %add3A_143 = arith.addi %mul3A_0, %add3A_142 : i32
      %lt3A_144 = vector.broadcast %add3A_143 : i32 to vector<16xi32>
      %lt3A_145 = arith.cmpi slt, %min3A_139, %lt3A_144 : vector<16xi32>
      %and3A_146 = arith.andi %ge3A_141, %lt3A_145 : vector<16xi1>
      %sub3A_147 = vector.broadcast %mul3A_0 : i32 to vector<16xi32>
      %sub3A_148 = arith.subi %min3A_139, %sub3A_147 : vector<16xi32>
      %jit3A_149 = arith.constant 5000 : i32
      %broadcast_in_dim3A_150 = vector.broadcast %jit3A_149 : i32 to vector<16xi32>
      %select_n3A_151 = arith.select %and3A_146, %sub3A_148, %broadcast_in_dim3A_150 : vector<16xi1>, vector<16xi32>
      %swap3A_152 = arith.constant 48 : index
      %swap3A_153 = tpu.vector_load %arg9[%swap3A_152] {strides = array<i32>} : memref<128xi32, #tpu.memory_space<vmem>>, vector<16xi32>,
      %swap3A_154 = vector.shape_cast %swap3A_153 : vector<16xi32> to vector<16xi32>
      %swap3A_155 = vector.shape_cast %select_n3A_151 : vector<16xi32> to vector<16xi32>
      tpu.vector_store %arg9[%swap3A_152], %swap3A_155 {strides = array<i32>} : memref<128xi32, #tpu.memory_space<vmem>>, vector<16xi32>,
      %get3A_156 = arith.constant 64 : index
      %get3A_157 = tpu.vector_load %arg8[%get3A_156] {strides = array<i32>} : memref<128xi32, #tpu.memory_space<vmem>>, vector<16xi32>,
      %get3A_158 = vector.shape_cast %get3A_157 : vector<16xi32> to vector<16xi32>
      %min3A_159 = arith.constant 9999 : i32
      %min3A_160 = vector.broadcast %min3A_159 : i32 to vector<16xi32>
      %min3A_161 = arith.minsi %get3A_158, %min3A_160 : vector<16xi32>
      %ge3A_162 = vector.broadcast %mul3A_0 : i32 to vector<16xi32>
      %ge3A_163 = arith.cmpi sge, %min3A_161, %ge3A_162 : vector<16xi32>
      %add3A_164 = arith.constant 5000 : i32
      %add3A_165 = arith.addi %mul3A_0, %add3A_164 : i32
      %lt3A_166 = vector.broadcast %add3A_165 : i32 to vector<16xi32>
      %lt3A_167 = arith.cmpi slt, %min3A_161, %lt3A_166 : vector<16xi32>
      %and3A_168 = arith.andi %ge3A_163, %lt3A_167 : vector<16xi1>
      %sub3A_169 = vector.broadcast %mul3A_0 : i32 to vector<16xi32>
      %sub3A_170 = arith.subi %min3A_161, %sub3A_169 : vector<16xi32>
      %jit3A_171 = arith.constant 5000 : i32
      %broadcast_in_dim3A_172 = vector.broadcast %jit3A_171 : i32 to vector<16xi32>
      %select_n3A_173 = arith.select %and3A_168, %sub3A_170, %broadcast_in_dim3A_172 : vector<16xi1>, vector<16xi32>
      %swap3A_174 = arith.constant 64 : index
      %swap3A_175 = tpu.vector_load %arg9[%swap3A_174] {strides = array<i32>} : memref<128xi32, #tpu.memory_space<vmem>>, vector<16xi32>,
      %swap3A_176 = vector.shape_cast %swap3A_175 : vector<16xi32> to vector<16xi32>
      %swap3A_177 = vector.shape_cast %select_n3A_173 : vector<16xi32> to vector<16xi32>
      tpu.vector_store %arg9[%swap3A_174], %swap3A_177 {strides = array<i32>} : memref<128xi32, #tpu.memory_space<vmem>>, vector<16xi32>,
      %get3A_178 = arith.constant 80 : index
      %get3A_179 = tpu.vector_load %arg8[%get3A_178] {strides = array<i32>} : memref<128xi32, #tpu.memory_space<vmem>>, vector<16xi32>,
      %get3A_180 = vector.shape_cast %get3A_179 : vector<16xi32> to vector<16xi32>
      %min3A_181 = arith.constant 9999 : i32
      %min3A_182 = vector.broadcast %min3A_181 : i32 to vector<16xi32>
      %min3A_183 = arith.minsi %get3A_180, %min3A_182 : vector<16xi32>
      %ge3A_184 = vector.broadcast %mul3A_0 : i32 to vector<16xi32>
      %ge3A_185 = arith.cmpi sge, %min3A_183, %ge3A_184 : vector<16xi32>
      %add3A_186 = arith.constant 5000 : i32
      %add3A_187 = arith.addi %mul3A_0, %add3A_186 : i32
      %lt3A_188 = vector.broadcast %add3A_187 : i32 to vector<16xi32>
      %lt3A_189 = arith.cmpi slt, %min3A_183, %lt3A_188 : vector<16xi32>
      %and3A_190 = arith.andi %ge3A_185, %lt3A_189 : vector<16xi1>
      %sub3A_191 = vector.broadcast %mul3A_0 : i32 to vector<16xi32>
      %sub3A_192 = arith.subi %min3A_183, %sub3A_191 : vector<16xi32>
      %jit3A_193 = arith.constant 5000 : i32
      %broadcast_in_dim3A_194 = vector.broadcast %jit3A_193 : i32 to vector<16xi32>
      %select_n3A_195 = arith.select %and3A_190, %sub3A_192, %broadcast_in_dim3A_194 : vector<16xi1>, vector<16xi32>
      %swap3A_196 = arith.constant 80 : index
      %swap3A_197 = tpu.vector_load %arg9[%swap3A_196] {strides = array<i32>} : memref<128xi32, #tpu.memory_space<vmem>>, vector<16xi32>,
      %swap3A_198 = vector.shape_cast %swap3A_197 : vector<16xi32> to vector<16xi32>
      %swap3A_199 = vector.shape_cast %select_n3A_195 : vector<16xi32> to vector<16xi32>
      tpu.vector_store %arg9[%swap3A_196], %swap3A_199 {strides = array<i32>} : memref<128xi32, #tpu.memory_space<vmem>>, vector<16xi32>,
      %get3A_200 = arith.constant 96 : index
      %get3A_201 = tpu.vector_load %arg8[%get3A_200] {strides = array<i32>} : memref<128xi32, #tpu.memory_space<vmem>>, vector<16xi32>,
      %get3A_202 = vector.shape_cast %get3A_201 : vector<16xi32> to vector<16xi32>
      %min3A_203 = arith.constant 9999 : i32
      %min3A_204 = vector.broadcast %min3A_203 : i32 to vector<16xi32>
      %min3A_205 = arith.minsi %get3A_202, %min3A_204 : vector<16xi32>
      %ge3A_206 = vector.broadcast %mul3A_0 : i32 to vector<16xi32>
      %ge3A_207 = arith.cmpi sge, %min3A_205, %ge3A_206 : vector<16xi32>
      %add3A_208 = arith.constant 5000 : i32
      %add3A_209 = arith.addi %mul3A_0, %add3A_208 : i32
      %lt3A_210 = vector.broadcast %add3A_209 : i32 to vector<16xi32>
      %lt3A_211 = arith.cmpi slt, %min3A_205, %lt3A_210 : vector<16xi32>
      %and3A_212 = arith.andi %ge3A_207, %lt3A_211 : vector<16xi1>
      %sub3A_213 = vector.broadcast %mul3A_0 : i32 to vector<16xi32>
      %sub3A_214 = arith.subi %min3A_205, %sub3A_213 : vector<16xi32>
      %jit3A_215 = arith.constant 5000 : i32
      %broadcast_in_dim3A_216 = vector.broadcast %jit3A_215 : i32 to vector<16xi32>
      %select_n3A_217 = arith.select %and3A_212, %sub3A_214, %broadcast_in_dim3A_216 : vector<16xi1>, vector<16xi32>
      %swap3A_218 = arith.constant 96 : index
      %swap3A_219 = tpu.vector_load %arg9[%swap3A_218] {strides = array<i32>} : memref<128xi32, #tpu.memory_space<vmem>>, vector<16xi32>,
      %swap3A_220 = vector.shape_cast %swap3A_219 : vector<16xi32> to vector<16xi32>
      %swap3A_221 = vector.shape_cast %select_n3A_217 : vector<16xi32> to vector<16xi32>
      tpu.vector_store %arg9[%swap3A_218], %swap3A_221 {strides = array<i32>} : memref<128xi32, #tpu.memory_space<vmem>>, vector<16xi32>,
      %get3A_222 = arith.constant 112 : index
      %get3A_223 = tpu.vector_load %arg8[%get3A_222] {strides = array<i32>} : memref<128xi32, #tpu.memory_space<vmem>>, vector<16xi32>,
      %get3A_224 = vector.shape_cast %get3A_223 : vector<16xi32> to vector<16xi32>
      %min3A_225 = arith.constant 9999 : i32
      %min3A_226 = vector.broadcast %min3A_225 : i32 to vector<16xi32>
      %min3A_227 = arith.minsi %get3A_224, %min3A_226 : vector<16xi32>
      %ge3A_228 = vector.broadcast %mul3A_0 : i32 to vector<16xi32>
      %ge3A_229 = arith.cmpi sge, %min3A_227, %ge3A_228 : vector<16xi32>
      %add3A_230 = arith.constant 5000 : i32
      %add3A_231 = arith.addi %mul3A_0, %add3A_230 : i32
      %lt3A_232 = vector.broadcast %add3A_231 : i32 to vector<16xi32>
      %lt3A_233 = arith.cmpi slt, %min3A_227, %lt3A_232 : vector<16xi32>
      %and3A_234 = arith.andi %ge3A_229, %lt3A_233 : vector<16xi1>
      %sub3A_235 = vector.broadcast %mul3A_0 : i32 to vector<16xi32>
      %sub3A_236 = arith.subi %min3A_227, %sub3A_235 : vector<16xi32>
      %jit3A_237 = arith.constant 5000 : i32
      %broadcast_in_dim3A_238 = vector.broadcast %jit3A_237 : i32 to vector<16xi32>
      %select_n3A_239 = arith.select %and3A_234, %sub3A_236, %broadcast_in_dim3A_238 : vector<16xi1>, vector<16xi32>
      %swap3A_240 = arith.constant 112 : index
      %swap3A_241 = tpu.vector_load %arg9[%swap3A_240] {strides = array<i32>} : memref<128xi32, #tpu.memory_space<vmem>>, vector<16xi32>,
      %swap3A_242 = vector.shape_cast %swap3A_241 : vector<16xi32> to vector<16xi32>
      %swap3A_243 = vector.shape_cast %select_n3A_239 : vector<16xi32> to vector<16xi32>
      tpu.vector_store %arg9[%swap3A_240], %swap3A_243 {strides = array<i32>} : memref<128xi32, #tpu.memory_space<vmem>>, vector<16xi32>,
      "tpu.region"() ({
        %run_scoped3A = tpu.sem_alloc : memref<!tpu.dma_semaphore, #tpu.memory_space<semaphore_mem>>
        %dma_start3A = arith.constant 0 : i32
        %dma_start3A_244 = arith.constant 0 : i32
        %dma_start3A_245 = tpu.memref_slice %arg11[%dma_start3A, %dma_start3A_244] : memref<5008x128xf32, #tpu.memory_space<vmem_shared>> -> memref<5008x128xf32, #tpu.memory_space<vmem_shared>>
        tpu.enqueue_indirect_dma source(%arg10 : memref<128x128xf32, #tpu.memory_space<vmem>>) target(%dma_start3A_245 : memref<5008x128xf32, #tpu.memory_space<vmem_shared>>) offsets(%arg9 : memref<128xi32, #tpu.memory_space<vmem>>) semaphore(%run_scoped3A : memref<!tpu.dma_semaphore, #tpu.memory_space<semaphore_mem>>) {add = true}
        %dma_wait3A = arith.constant 0 : i32
        %dma_wait3A_246 = arith.constant 0 : i32
        %dma_wait3A_247 = tpu.memref_slice %arg11[%dma_wait3A, %dma_wait3A_246] : memref<5008x128xf32, #tpu.memory_space<vmem_shared>> -> memref<5008x128xf32, #tpu.memory_space<vmem_shared>>
        tpu.wait_indirect_dma semaphore(%run_scoped3A : memref<!tpu.dma_semaphore, #tpu.memory_space<semaphore_mem>>) src(%arg10 : memref<128x128xf32, #tpu.memory_space<vmem>>) dst(%dma_wait3A_247 : memref<5008x128xf32, #tpu.memory_space<vmem_shared>>)
        tpu.yield
      }) : () -> ()
    }
    %while3A_50 = arith.constant 1 : i32
    scf.for %while3A_65 = %while3A_48 to %while3A_44 step %while3A_50  : i32 {
      %add3A_66 = arith.addi %select_n3A, %arg1 : i32
      %mul3A_67 = arith.constant 16 : i32
      %mul3A_68 = arith.muli %while3A_65, %mul3A_67 : i32
      %add3A_69 = arith.addi %add3A_66, %mul3A_68 : i32
      %mul3A_70 = arith.constant 128 : i32
      %mul3A_71 = arith.muli %add3A_69, %mul3A_70 : i32
      "tpu.region"() ({
        %run_scoped3A = tpu.sem_alloc : memref<!tpu.dma_semaphore, #tpu.memory_space<semaphore_mem>>
        %dma_start3A = arith.constant 0 : i32
        %dma_start3A_244 = tpu.memref_slice %arg2[%mul3A_71, %dma_start3A] : memref<320000x128xf32, #tpu.memory_space<hbm>> -> memref<128x128xf32, #tpu.memory_space<hbm>>
        %dma_start3A_245 = arith.constant 0 : i32
        %dma_start3A_246 = tpu.memref_slice %arg2[%mul3A_71, %dma_start3A_245] : memref<320000x128xf32, #tpu.memory_space<hbm>> -> memref<128x128xf32, #tpu.memory_space<hbm>>
        tpu.enqueue_dma source(%dma_start3A_246 : memref<128x128xf32, #tpu.memory_space<hbm>>) target(%arg10 : memref<128x128xf32, #tpu.memory_space<vmem>>) target_semaphore(%run_scoped3A : memref<!tpu.dma_semaphore, #tpu.memory_space<semaphore_mem>>)
        %dma_wait3A = arith.constant 0 : i32
        %dma_wait3A_247 = tpu.memref_slice %arg2[%mul3A_71, %dma_wait3A] : memref<320000x128xf32, #tpu.memory_space<hbm>> -> memref<128x128xf32, #tpu.memory_space<hbm>>
        %dma_wait3A_248 = arith.constant 0 : i32
        %dma_wait3A_249 = tpu.memref_slice %arg2[%mul3A_71, %dma_wait3A_248] : memref<320000x128xf32, #tpu.memory_space<hbm>> -> memref<128x128xf32, #tpu.memory_space<hbm>>
        tpu.wait_dma2 semaphore(%run_scoped3A : memref<!tpu.dma_semaphore, #tpu.memory_space<semaphore_mem>>) src(%dma_wait3A_249 : memref<128x128xf32, #tpu.memory_space<hbm>>) dst(%arg10 : memref<128x128xf32, #tpu.memory_space<vmem>>)
        tpu.yield
      }) : () -> ()
      "tpu.region"() ({
        %run_scoped3A = tpu.sem_alloc : memref<!tpu.dma_semaphore, #tpu.memory_space<semaphore_mem>>
        %dma_start3A = tpu.memref_slice %arg3[%mul3A_71] : memref<320000xi32, #tpu.memory_space<hbm>> -> memref<128xi32, #tpu.memory_space<hbm>>
        %dma_start3A_244 = tpu.memref_slice %arg3[%mul3A_71] : memref<320000xi32, #tpu.memory_space<hbm>> -> memref<128xi32, #tpu.memory_space<hbm>>
        tpu.enqueue_dma source(%dma_start3A_244 : memref<128xi32, #tpu.memory_space<hbm>>) target(%arg8 : memref<128xi32, #tpu.memory_space<vmem>>) target_semaphore(%run_scoped3A : memref<!tpu.dma_semaphore, #tpu.memory_space<semaphore_mem>>)
        %dma_wait3A = tpu.memref_slice %arg3[%mul3A_71] : memref<320000xi32, #tpu.memory_space<hbm>> -> memref<128xi32, #tpu.memory_space<hbm>>
        %dma_wait3A_245 = tpu.memref_slice %arg3[%mul3A_71] : memref<320000xi32, #tpu.memory_space<hbm>> -> memref<128xi32, #tpu.memory_space<hbm>>
        tpu.wait_dma2 semaphore(%run_scoped3A : memref<!tpu.dma_semaphore, #tpu.memory_space<semaphore_mem>>) src(%dma_wait3A_245 : memref<128xi32, #tpu.memory_space<hbm>>) dst(%arg8 : memref<128xi32, #tpu.memory_space<vmem>>)
        tpu.yield
      }) : () -> ()
      %get3A_72 = arith.constant 0 : index
      %get3A_73 = tpu.vector_load %arg8[%get3A_72] {strides = array<i32>} : memref<128xi32, #tpu.memory_space<vmem>>, vector<16xi32>,
      %get3A_74 = vector.shape_cast %get3A_73 : vector<16xi32> to vector<16xi32>
      %min3A = arith.constant 9999 : i32
      %min3A_75 = vector.broadcast %min3A : i32 to vector<16xi32>
      %min3A_76 = arith.minsi %get3A_74, %min3A_75 : vector<16xi32>
      %ge3A = vector.broadcast %mul3A_0 : i32 to vector<16xi32>
      %ge3A_77 = arith.cmpi sge, %min3A_76, %ge3A : vector<16xi32>
      %add3A_78 = arith.constant 5000 : i32
      %add3A_79 = arith.addi %mul3A_0, %add3A_78 : i32
      %lt3A_80 = vector.broadcast %add3A_79 : i32 to vector<16xi32>
      %lt3A_81 = arith.cmpi slt, %min3A_76, %lt3A_80 : vector<16xi32>
      %and3A_82 = arith.andi %ge3A_77, %lt3A_81 : vector<16xi1>
      %sub3A_83 = vector.broadcast %mul3A_0 : i32 to vector<16xi32>
      %sub3A_84 = arith.subi %min3A_76, %sub3A_83 : vector<16xi32>
      %jit3A_85 = arith.constant 5000 : i32
      %broadcast_in_dim3A = vector.broadcast %jit3A_85 : i32 to vector<16xi32>
      %select_n3A_86 = arith.select %and3A_82, %sub3A_84, %broadcast_in_dim3A : vector<16xi1>, vector<16xi32>
      %swap3A = arith.constant 0 : index
      %swap3A_87 = tpu.vector_load %arg9[%swap3A] {strides = array<i32>} : memref<128xi32, #tpu.memory_space<vmem>>, vector<16xi32>,
      %swap3A_88 = vector.shape_cast %swap3A_87 : vector<16xi32> to vector<16xi32>
      %swap3A_89 = vector.shape_cast %select_n3A_86 : vector<16xi32> to vector<16xi32>
      tpu.vector_store %arg9[%swap3A], %swap3A_89 {strides = array<i32>} : memref<128xi32, #tpu.memory_space<vmem>>, vector<16xi32>,
      %get3A_90 = arith.constant 16 : index
      %get3A_91 = tpu.vector_load %arg8[%get3A_90] {strides = array<i32>} : memref<128xi32, #tpu.memory_space<vmem>>, vector<16xi32>,
      %get3A_92 = vector.shape_cast %get3A_91 : vector<16xi32> to vector<16xi32>
      %min3A_93 = arith.constant 9999 : i32
      %min3A_94 = vector.broadcast %min3A_93 : i32 to vector<16xi32>
      %min3A_95 = arith.minsi %get3A_92, %min3A_94 : vector<16xi32>
      %ge3A_96 = vector.broadcast %mul3A_0 : i32 to vector<16xi32>
      %ge3A_97 = arith.cmpi sge, %min3A_95, %ge3A_96 : vector<16xi32>
      %add3A_98 = arith.constant 5000 : i32
      %add3A_99 = arith.addi %mul3A_0, %add3A_98 : i32
      %lt3A_100 = vector.broadcast %add3A_99 : i32 to vector<16xi32>
      %lt3A_101 = arith.cmpi slt, %min3A_95, %lt3A_100 : vector<16xi32>
      %and3A_102 = arith.andi %ge3A_97, %lt3A_101 : vector<16xi1>
      %sub3A_103 = vector.broadcast %mul3A_0 : i32 to vector<16xi32>
      %sub3A_104 = arith.subi %min3A_95, %sub3A_103 : vector<16xi32>
      %jit3A_105 = arith.constant 5000 : i32
      %broadcast_in_dim3A_106 = vector.broadcast %jit3A_105 : i32 to vector<16xi32>
      %select_n3A_107 = arith.select %and3A_102, %sub3A_104, %broadcast_in_dim3A_106 : vector<16xi1>, vector<16xi32>
      %swap3A_108 = arith.constant 16 : index
      %swap3A_109 = tpu.vector_load %arg9[%swap3A_108] {strides = array<i32>} : memref<128xi32, #tpu.memory_space<vmem>>, vector<16xi32>,
      %swap3A_110 = vector.shape_cast %swap3A_109 : vector<16xi32> to vector<16xi32>
      %swap3A_111 = vector.shape_cast %select_n3A_107 : vector<16xi32> to vector<16xi32>
      tpu.vector_store %arg9[%swap3A_108], %swap3A_111 {strides = array<i32>} : memref<128xi32, #tpu.memory_space<vmem>>, vector<16xi32>,
      %get3A_112 = arith.constant 32 : index
      %get3A_113 = tpu.vector_load %arg8[%get3A_112] {strides = array<i32>} : memref<128xi32, #tpu.memory_space<vmem>>, vector<16xi32>,
      %get3A_114 = vector.shape_cast %get3A_113 : vector<16xi32> to vector<16xi32>
      %min3A_115 = arith.constant 9999 : i32
      %min3A_116 = vector.broadcast %min3A_115 : i32 to vector<16xi32>
      %min3A_117 = arith.minsi %get3A_114, %min3A_116 : vector<16xi32>
      %ge3A_118 = vector.broadcast %mul3A_0 : i32 to vector<16xi32>
      %ge3A_119 = arith.cmpi sge, %min3A_117, %ge3A_118 : vector<16xi32>
      %add3A_120 = arith.constant 5000 : i32
      %add3A_121 = arith.addi %mul3A_0, %add3A_120 : i32
      %lt3A_122 = vector.broadcast %add3A_121 : i32 to vector<16xi32>
      %lt3A_123 = arith.cmpi slt, %min3A_117, %lt3A_122 : vector<16xi32>
      %and3A_124 = arith.andi %ge3A_119, %lt3A_123 : vector<16xi1>
      %sub3A_125 = vector.broadcast %mul3A_0 : i32 to vector<16xi32>
      %sub3A_126 = arith.subi %min3A_117, %sub3A_125 : vector<16xi32>
      %jit3A_127 = arith.constant 5000 : i32
      %broadcast_in_dim3A_128 = vector.broadcast %jit3A_127 : i32 to vector<16xi32>
      %select_n3A_129 = arith.select %and3A_124, %sub3A_126, %broadcast_in_dim3A_128 : vector<16xi1>, vector<16xi32>
      %swap3A_130 = arith.constant 32 : index
      %swap3A_131 = tpu.vector_load %arg9[%swap3A_130] {strides = array<i32>} : memref<128xi32, #tpu.memory_space<vmem>>, vector<16xi32>,
      %swap3A_132 = vector.shape_cast %swap3A_131 : vector<16xi32> to vector<16xi32>
      %swap3A_133 = vector.shape_cast %select_n3A_129 : vector<16xi32> to vector<16xi32>
      tpu.vector_store %arg9[%swap3A_130], %swap3A_133 {strides = array<i32>} : memref<128xi32, #tpu.memory_space<vmem>>, vector<16xi32>,
      %get3A_134 = arith.constant 48 : index
      %get3A_135 = tpu.vector_load %arg8[%get3A_134] {strides = array<i32>} : memref<128xi32, #tpu.memory_space<vmem>>, vector<16xi32>,
      %get3A_136 = vector.shape_cast %get3A_135 : vector<16xi32> to vector<16xi32>
      %min3A_137 = arith.constant 9999 : i32
      %min3A_138 = vector.broadcast %min3A_137 : i32 to vector<16xi32>
      %min3A_139 = arith.minsi %get3A_136, %min3A_138 : vector<16xi32>
      %ge3A_140 = vector.broadcast %mul3A_0 : i32 to vector<16xi32>
      %ge3A_141 = arith.cmpi sge, %min3A_139, %ge3A_140 : vector<16xi32>
      %add3A_142 = arith.constant 5000 : i32
      %add3A_143 = arith.addi %mul3A_0, %add3A_142 : i32
      %lt3A_144 = vector.broadcast %add3A_143 : i32 to vector<16xi32>
      %lt3A_145 = arith.cmpi slt, %min3A_139, %lt3A_144 : vector<16xi32>
      %and3A_146 = arith.andi %ge3A_141, %lt3A_145 : vector<16xi1>
      %sub3A_147 = vector.broadcast %mul3A_0 : i32 to vector<16xi32>
      %sub3A_148 = arith.subi %min3A_139, %sub3A_147 : vector<16xi32>
      %jit3A_149 = arith.constant 5000 : i32
      %broadcast_in_dim3A_150 = vector.broadcast %jit3A_149 : i32 to vector<16xi32>
      %select_n3A_151 = arith.select %and3A_146, %sub3A_148, %broadcast_in_dim3A_150 : vector<16xi1>, vector<16xi32>
      %swap3A_152 = arith.constant 48 : index
      %swap3A_153 = tpu.vector_load %arg9[%swap3A_152] {strides = array<i32>} : memref<128xi32, #tpu.memory_space<vmem>>, vector<16xi32>,
      %swap3A_154 = vector.shape_cast %swap3A_153 : vector<16xi32> to vector<16xi32>
      %swap3A_155 = vector.shape_cast %select_n3A_151 : vector<16xi32> to vector<16xi32>
      tpu.vector_store %arg9[%swap3A_152], %swap3A_155 {strides = array<i32>} : memref<128xi32, #tpu.memory_space<vmem>>, vector<16xi32>,
      %get3A_156 = arith.constant 64 : index
      %get3A_157 = tpu.vector_load %arg8[%get3A_156] {strides = array<i32>} : memref<128xi32, #tpu.memory_space<vmem>>, vector<16xi32>,
      %get3A_158 = vector.shape_cast %get3A_157 : vector<16xi32> to vector<16xi32>
      %min3A_159 = arith.constant 9999 : i32
      %min3A_160 = vector.broadcast %min3A_159 : i32 to vector<16xi32>
      %min3A_161 = arith.minsi %get3A_158, %min3A_160 : vector<16xi32>
      %ge3A_162 = vector.broadcast %mul3A_0 : i32 to vector<16xi32>
      %ge3A_163 = arith.cmpi sge, %min3A_161, %ge3A_162 : vector<16xi32>
      %add3A_164 = arith.constant 5000 : i32
      %add3A_165 = arith.addi %mul3A_0, %add3A_164 : i32
      %lt3A_166 = vector.broadcast %add3A_165 : i32 to vector<16xi32>
      %lt3A_167 = arith.cmpi slt, %min3A_161, %lt3A_166 : vector<16xi32>
      %and3A_168 = arith.andi %ge3A_163, %lt3A_167 : vector<16xi1>
      %sub3A_169 = vector.broadcast %mul3A_0 : i32 to vector<16xi32>
      %sub3A_170 = arith.subi %min3A_161, %sub3A_169 : vector<16xi32>
      %jit3A_171 = arith.constant 5000 : i32
      %broadcast_in_dim3A_172 = vector.broadcast %jit3A_171 : i32 to vector<16xi32>
      %select_n3A_173 = arith.select %and3A_168, %sub3A_170, %broadcast_in_dim3A_172 : vector<16xi1>, vector<16xi32>
      %swap3A_174 = arith.constant 64 : index
      %swap3A_175 = tpu.vector_load %arg9[%swap3A_174] {strides = array<i32>} : memref<128xi32, #tpu.memory_space<vmem>>, vector<16xi32>,
      %swap3A_176 = vector.shape_cast %swap3A_175 : vector<16xi32> to vector<16xi32>
      %swap3A_177 = vector.shape_cast %select_n3A_173 : vector<16xi32> to vector<16xi32>
      tpu.vector_store %arg9[%swap3A_174], %swap3A_177 {strides = array<i32>} : memref<128xi32, #tpu.memory_space<vmem>>, vector<16xi32>,
      %get3A_178 = arith.constant 80 : index
      %get3A_179 = tpu.vector_load %arg8[%get3A_178] {strides = array<i32>} : memref<128xi32, #tpu.memory_space<vmem>>, vector<16xi32>,
      %get3A_180 = vector.shape_cast %get3A_179 : vector<16xi32> to vector<16xi32>
      %min3A_181 = arith.constant 9999 : i32
      %min3A_182 = vector.broadcast %min3A_181 : i32 to vector<16xi32>
      %min3A_183 = arith.minsi %get3A_180, %min3A_182 : vector<16xi32>
      %ge3A_184 = vector.broadcast %mul3A_0 : i32 to vector<16xi32>
      %ge3A_185 = arith.cmpi sge, %min3A_183, %ge3A_184 : vector<16xi32>
      %add3A_186 = arith.constant 5000 : i32
      %add3A_187 = arith.addi %mul3A_0, %add3A_186 : i32
      %lt3A_188 = vector.broadcast %add3A_187 : i32 to vector<16xi32>
      %lt3A_189 = arith.cmpi slt, %min3A_183, %lt3A_188 : vector<16xi32>
      %and3A_190 = arith.andi %ge3A_185, %lt3A_189 : vector<16xi1>
      %sub3A_191 = vector.broadcast %mul3A_0 : i32 to vector<16xi32>
      %sub3A_192 = arith.subi %min3A_183, %sub3A_191 : vector<16xi32>
      %jit3A_193 = arith.constant 5000 : i32
      %broadcast_in_dim3A_194 = vector.broadcast %jit3A_193 : i32 to vector<16xi32>
      %select_n3A_195 = arith.select %and3A_190, %sub3A_192, %broadcast_in_dim3A_194 : vector<16xi1>, vector<16xi32>
      %swap3A_196 = arith.constant 80 : index
      %swap3A_197 = tpu.vector_load %arg9[%swap3A_196] {strides = array<i32>} : memref<128xi32, #tpu.memory_space<vmem>>, vector<16xi32>,
      %swap3A_198 = vector.shape_cast %swap3A_197 : vector<16xi32> to vector<16xi32>
      %swap3A_199 = vector.shape_cast %select_n3A_195 : vector<16xi32> to vector<16xi32>
      tpu.vector_store %arg9[%swap3A_196], %swap3A_199 {strides = array<i32>} : memref<128xi32, #tpu.memory_space<vmem>>, vector<16xi32>,
      %get3A_200 = arith.constant 96 : index
      %get3A_201 = tpu.vector_load %arg8[%get3A_200] {strides = array<i32>} : memref<128xi32, #tpu.memory_space<vmem>>, vector<16xi32>,
      %get3A_202 = vector.shape_cast %get3A_201 : vector<16xi32> to vector<16xi32>
      %min3A_203 = arith.constant 9999 : i32
      %min3A_204 = vector.broadcast %min3A_203 : i32 to vector<16xi32>
      %min3A_205 = arith.minsi %get3A_202, %min3A_204 : vector<16xi32>
      %ge3A_206 = vector.broadcast %mul3A_0 : i32 to vector<16xi32>
      %ge3A_207 = arith.cmpi sge, %min3A_205, %ge3A_206 : vector<16xi32>
      %add3A_208 = arith.constant 5000 : i32
      %add3A_209 = arith.addi %mul3A_0, %add3A_208 : i32
      %lt3A_210 = vector.broadcast %add3A_209 : i32 to vector<16xi32>
      %lt3A_211 = arith.cmpi slt, %min3A_205, %lt3A_210 : vector<16xi32>
      %and3A_212 = arith.andi %ge3A_207, %lt3A_211 : vector<16xi1>
      %sub3A_213 = vector.broadcast %mul3A_0 : i32 to vector<16xi32>
      %sub3A_214 = arith.subi %min3A_205, %sub3A_213 : vector<16xi32>
      %jit3A_215 = arith.constant 5000 : i32
      %broadcast_in_dim3A_216 = vector.broadcast %jit3A_215 : i32 to vector<16xi32>
      %select_n3A_217 = arith.select %and3A_212, %sub3A_214, %broadcast_in_dim3A_216 : vector<16xi1>, vector<16xi32>
      %swap3A_218 = arith.constant 96 : index
      %swap3A_219 = tpu.vector_load %arg9[%swap3A_218] {strides = array<i32>} : memref<128xi32, #tpu.memory_space<vmem>>, vector<16xi32>,
      %swap3A_220 = vector.shape_cast %swap3A_219 : vector<16xi32> to vector<16xi32>
      %swap3A_221 = vector.shape_cast %select_n3A_217 : vector<16xi32> to vector<16xi32>
      tpu.vector_store %arg9[%swap3A_218], %swap3A_221 {strides = array<i32>} : memref<128xi32, #tpu.memory_space<vmem>>, vector<16xi32>,
      %get3A_222 = arith.constant 112 : index
      %get3A_223 = tpu.vector_load %arg8[%get3A_222] {strides = array<i32>} : memref<128xi32, #tpu.memory_space<vmem>>, vector<16xi32>,
      %get3A_224 = vector.shape_cast %get3A_223 : vector<16xi32> to vector<16xi32>
      %min3A_225 = arith.constant 9999 : i32
      %min3A_226 = vector.broadcast %min3A_225 : i32 to vector<16xi32>
      %min3A_227 = arith.minsi %get3A_224, %min3A_226 : vector<16xi32>
      %ge3A_228 = vector.broadcast %mul3A_0 : i32 to vector<16xi32>
      %ge3A_229 = arith.cmpi sge, %min3A_227, %ge3A_228 : vector<16xi32>
      %add3A_230 = arith.constant 5000 : i32
      %add3A_231 = arith.addi %mul3A_0, %add3A_230 : i32
      %lt3A_232 = vector.broadcast %add3A_231 : i32 to vector<16xi32>
      %lt3A_233 = arith.cmpi slt, %min3A_227, %lt3A_232 : vector<16xi32>
      %and3A_234 = arith.andi %ge3A_229, %lt3A_233 : vector<16xi1>
      %sub3A_235 = vector.broadcast %mul3A_0 : i32 to vector<16xi32>
      %sub3A_236 = arith.subi %min3A_227, %sub3A_235 : vector<16xi32>
      %jit3A_237 = arith.constant 5000 : i32
      %broadcast_in_dim3A_238 = vector.broadcast %jit3A_237 : i32 to vector<16xi32>
      %select_n3A_239 = arith.select %and3A_234, %sub3A_236, %broadcast_in_dim3A_238 : vector<16xi1>, vector<16xi32>
      %swap3A_240 = arith.constant 112 : index
      %swap3A_241 = tpu.vector_load %arg9[%swap3A_240] {strides = array<i32>} : memref<128xi32, #tpu.memory_space<vmem>>, vector<16xi32>,
      %swap3A_242 = vector.shape_cast %swap3A_241 : vector<16xi32> to vector<16xi32>
      %swap3A_243 = vector.shape_cast %select_n3A_239 : vector<16xi32> to vector<16xi32>
      tpu.vector_store %arg9[%swap3A_240], %swap3A_243 {strides = array<i32>} : memref<128xi32, #tpu.memory_space<vmem>>, vector<16xi32>,
      "tpu.region"() ({
        %run_scoped3A = tpu.sem_alloc : memref<!tpu.dma_semaphore, #tpu.memory_space<semaphore_mem>>
        %dma_start3A = arith.constant 0 : i32
        %dma_start3A_244 = arith.constant 0 : i32
        %dma_start3A_245 = tpu.memref_slice %arg11[%dma_start3A, %dma_start3A_244] : memref<5008x128xf32, #tpu.memory_space<vmem_shared>> -> memref<5008x128xf32, #tpu.memory_space<vmem_shared>>
        tpu.enqueue_indirect_dma source(%arg10 : memref<128x128xf32, #tpu.memory_space<vmem>>) target(%dma_start3A_245 : memref<5008x128xf32, #tpu.memory_space<vmem_shared>>) offsets(%arg9 : memref<128xi32, #tpu.memory_space<vmem>>) semaphore(%run_scoped3A : memref<!tpu.dma_semaphore, #tpu.memory_space<semaphore_mem>>) {add = true}
        %dma_wait3A = arith.constant 0 : i32
        %dma_wait3A_246 = arith.constant 0 : i32
        %dma_wait3A_247 = tpu.memref_slice %arg11[%dma_wait3A, %dma_wait3A_246] : memref<5008x128xf32, #tpu.memory_space<vmem_shared>> -> memref<5008x128xf32, #tpu.memory_space<vmem_shared>>
        tpu.wait_indirect_dma semaphore(%run_scoped3A : memref<!tpu.dma_semaphore, #tpu.memory_space<semaphore_mem>>) src(%arg10 : memref<128x128xf32, #tpu.memory_space<vmem>>) dst(%dma_wait3A_247 : memref<5008x128xf32, #tpu.memory_space<vmem_shared>>)
        tpu.yield
      }) : () -> ()
    }
    %barrier3A_51 = arith.constant 0 : index
    tpu.barrier barrier_id(%barrier3A_51)
    %mul3A_52 = arith.constant 312 : i32
    %mul3A_53 = arith.muli %arg1, %mul3A_52 : i32
    %add3A_54 = arith.addi %mul3A_0, %mul3A_53 : i32
    %lt3A_55 = arith.constant 15 : i32
    %lt3A_56 = arith.cmpi slt, %arg1, %lt3A_55 : i32
    %convert_element_type3A_57 = arith.extui %lt3A_56 : i1 to i32
    %cond3A_58 = arith.constant 0 : i32
    %cond3A_59 = arith.cmpi ne, %convert_element_type3A_57, %cond3A_58 : i32
    scf.if %cond3A_59 {
      %mul3A_65 = arith.constant 312 : i32
      %mul3A_66 = arith.muli %arg1, %mul3A_65 : i32
      "tpu.region"() ({
        %run_scoped3A = tpu.sem_alloc : memref<!tpu.dma_semaphore, #tpu.memory_space<semaphore_mem>>
        %dma_start3A = arith.constant 0 : i32
        %dma_start3A_67 = tpu.memref_slice %arg6[%add3A_54, %dma_start3A] : memref<10000x128xf32, #tpu.memory_space<hbm>> -> memref<312x128xf32, #tpu.memory_space<hbm>>
        %dma_start3A_68 = arith.constant 0 : i32
        %dma_start3A_69 = tpu.memref_slice %arg11[%mul3A_66, %dma_start3A_68] : memref<5008x128xf32, #tpu.memory_space<vmem_shared>> -> memref<312x128xf32, #tpu.memory_space<vmem_shared>>
        tpu.enqueue_dma source(%dma_start3A_69 : memref<312x128xf32, #tpu.memory_space<vmem_shared>>) target(%dma_start3A_67 : memref<312x128xf32, #tpu.memory_space<hbm>>) target_semaphore(%run_scoped3A : memref<!tpu.dma_semaphore, #tpu.memory_space<semaphore_mem>>)
        %dma_wait3A = arith.constant 0 : i32
        %dma_wait3A_70 = tpu.memref_slice %arg6[%add3A_54, %dma_wait3A] : memref<10000x128xf32, #tpu.memory_space<hbm>> -> memref<312x128xf32, #tpu.memory_space<hbm>>
        %dma_wait3A_71 = arith.constant 0 : i32
        %dma_wait3A_72 = tpu.memref_slice %arg11[%mul3A_66, %dma_wait3A_71] : memref<5008x128xf32, #tpu.memory_space<vmem_shared>> -> memref<312x128xf32, #tpu.memory_space<vmem_shared>>
        tpu.wait_dma2 semaphore(%run_scoped3A : memref<!tpu.dma_semaphore, #tpu.memory_space<semaphore_mem>>) src(%dma_wait3A_72 : memref<312x128xf32, #tpu.memory_space<vmem_shared>>) dst(%dma_wait3A_70 : memref<312x128xf32, #tpu.memory_space<hbm>>)
        tpu.yield
      }) : () -> ()
    } else {
    }
    %eq3A_60 = arith.constant 15 : i32
    %eq3A_61 = arith.cmpi eq, %arg1, %eq3A_60 : i32
    %convert_element_type3A_62 = arith.extui %eq3A_61 : i1 to i32
    %cond3A_63 = arith.constant 0 : i32
    %cond3A_64 = arith.cmpi ne, %convert_element_type3A_62, %cond3A_63 : i32
    scf.if %cond3A_64 {
      %mul3A_65 = arith.constant 312 : i32
      %mul3A_66 = arith.muli %arg1, %mul3A_65 : i32
      "tpu.region"() ({
        %run_scoped3A = tpu.sem_alloc : memref<!tpu.dma_semaphore, #tpu.memory_space<semaphore_mem>>
        %dma_start3A = arith.constant 0 : i32
        %dma_start3A_67 = tpu.memref_slice %arg6[%add3A_54, %dma_start3A] : memref<10000x128xf32, #tpu.memory_space<hbm>> -> memref<320x128xf32, #tpu.memory_space<hbm>>
        %dma_start3A_68 = arith.constant 0 : i32
        %dma_start3A_69 = tpu.memref_slice %arg11[%mul3A_66, %dma_start3A_68] : memref<5008x128xf32, #tpu.memory_space<vmem_shared>> -> memref<320x128xf32, #tpu.memory_space<vmem_shared>>
        tpu.enqueue_dma source(%dma_start3A_69 : memref<320x128xf32, #tpu.memory_space<vmem_shared>>) target(%dma_start3A_67 : memref<320x128xf32, #tpu.memory_space<hbm>>) target_semaphore(%run_scoped3A : memref<!tpu.dma_semaphore, #tpu.memory_space<semaphore_mem>>)
        %dma_wait3A = arith.constant 0 : i32
        %dma_wait3A_70 = tpu.memref_slice %arg6[%add3A_54, %dma_wait3A] : memref<10000x128xf32, #tpu.memory_space<hbm>> -> memref<320x128xf32, #tpu.memory_space<hbm>>
        %dma_wait3A_71 = arith.constant 0 : i32
        %dma_wait3A_72 = tpu.memref_slice %arg11[%mul3A_66, %dma_wait3A_71] : memref<5008x128xf32, #tpu.memory_space<vmem_shared>> -> memref<320x128xf32, #tpu.memory_space<vmem_shared>>
        tpu.wait_dma2 semaphore(%run_scoped3A : memref<!tpu.dma_semaphore, #tpu.memory_space<semaphore_mem>>) src(%dma_wait3A_72 : memref<320x128xf32, #tpu.memory_space<vmem_shared>>) dst(%dma_wait3A_70 : memref<320x128xf32, #tpu.memory_space<hbm>>)
        tpu.yield
      }) : () -> ()
    } else {
    }
    return
  }
}

</mosaic_0001>

<sc_bundles>
// kernel: kernel.3.cloned.1.call-start
scs
__scs_entry_jumppad:
0x0: {  	(pc) =	sbr.rel $0x88, $3  }
0x1: {  	(tag) =	ssettag $0x0;
	lr =	simm.s32 $0x1  }
0x2: {  	[smem:$0x3F9F] =	sst lr;
	_ =	strace $0xD0000000  }
0x3: {  	_ = 	snop  }
0x4: {  	_ = 	snop  }
0x5: {  	_ = 	snop  }
0x6: {  	_ = 	snop  }
0x7: {  	_ = 	snop  }
__scs_overlays_trampoline_lowered:
0x8: {  	[smem:$0x3FAE] =	sst s0  }
0x9: {  	[smem:$0x3FAF] =	sst s1  }
0xa: {  	[smem:$0x3FB0] =	sst s2  }
0xb: {  	[smem:$0x3FB1] =	sst s3  }
0xc: {  	[smem:$0x3FB2] =	sst s4  }
0xd: {  	[smem:$0x3FB3] =	sst s5  }
0xe: {  	[smem:$0x3FB4] =	sst s6  }
0xf: {  	[smem:$0x3FB5] =	sst s7  }
0x10: {  	[smem:$0x3FB6] =	sst s8  }
0x11: {  	[smem:$0x3FB7] =	sst s9;
	s0 =	simm.s32 @!p0 $0x0  }
0x12: {  	s1 =	sld [smem:$0x3F9D];
	s0 =	simm.s32 @p0 $0x1  }
0x13: {  	[smem:$0x3FB8] =	sst s0;
	s0 =	simm.s32 @!p1 $0x0  }
0x14: {  	s2 =	sld [smem:$0x3F9C];
	s0 =	simm.s32 @p1 $0x1  }
0x15: {  	[smem:$0x3FB9] =	sst s0;
	s0 =	simm.s32 @!p2 $0x0  }
0x16: {  	s3 =	sld [smem:$0x3FDB];
	s0 =	simm.s32 @p2 $0x1  }
0x17: {  	s4 =	simm.s32 $0x1BF5;
	[smem:$0x3FBB] =	sst s0  }
0x18: {  	s0 =	sld [smem:$0x3F9E];
	_ =	swait.ge [sflag:s4], $0x0  }
0x19: {  	s7 =	sld [smem:$0x3F9F]  }
0x1a: {  	s8 =	sadd.s32 $0xFFFFE003, lr  }
0x1b: {  	s9 =	sadd.s32 $0xFFFFFEF7, lr;
	s5 =	simm.s32 $0xFFFFFFFF;
	p2 =	slt.u32 s8, $0xFFFFF086  }
0x1c: {  	p1 =	slt.u32 s9, $0xF7A;
	s5 =	simm.s32 @!p2 $0x0  }
0x1d: {  	s5 =	simm.s32 @p1 $0x1;
	p0 =	seq.s32 s7, s2  }
0x1e: {  	s7 =	smul.u32 @!p0 $0xF7A, s2;
	p2 =	seq.s32 @!p0 s5, $0x0  }
0x1f: {  	s9 =	smul.u32 $0xF7A, s1;
	s8 =	simm.s32 @!p0 $0x1BF5;
	p2 =	por !p2, p0  }
0x20: {  	[sflag:s8] =	ssyncset.s32 @!p0 $0xFFFFF086;
	s6 =	sadd.s32 @!p0 s3, s7;
	s7 =	simm.s32 @!p0 $0x108  }
0x21: {  	s3 =	sadd.s32 s3, s9;
	s6 =	sadd.s32 @!p0 $0x88, s6;
	s7 =	simm.s32 @p2 $0x1082  }
0x22: {  	[simem:s7], [sflag:s8] =	dma.local @!p0 [hbm:s6], $0xF7A  }
0x23: {  	s9 =	sor.u32 $0xD0000000, s2;
	s6 =	simm.s32 $0x108;
	_ =	swait.ge @!p0 [sflag:s8], $0x0  }
0x24: {  	s3 =	sadd.s32 $0x88, s3;
	s6 =	simm.s32 @!p1 $0x1082;
	[sflag:s4] =	ssyncset.s32 $0xFFFFF086  }
0x25: {  	[simem:s6], [sflag:s4] =	dma.local [hbm:s3], $0xF7A  }
0x26: {  	[smem:$0x3F9F] =	sst s1;
	(tag) =	ssettag s2;
	_ =	strace s9  }
0x27: {  	s1 =	sld [smem:$0x3FAF]  }
0x28: {  	s2 =	sld [smem:$0x3FB0]  }
0x29: {  	s4 =	sld [smem:$0x3FB2]  }
0x2a: {  	p0 =	seq.s32 s5, $0x0;
	s5 =	sld [smem:$0x3FB3]  }
0x2b: {  	s6 =	sld [smem:$0x3FB4]  }
0x2c: {  	s7 =	sld [smem:$0x3FB5]  }
0x2d: {  	s3 =	simm.s32 $0x108;
	s8 =	sld [smem:$0x3FB6]  }
0x2e: {  	s3 =	simm.s32 @!p0 $0x1082;
	s9 =	sld [smem:$0x3FB7]  }
0x2f: {  	lr =	sadd.s32 s0, s3;
	s0 =	sld [smem:$0x3FAE]  }
0x30: {  	s3 =	sld [smem:$0x3FB1]  }
0x31: {  	[smem:$0x3FBA] =	sst s10  }
0x32: {  	s10 =	sld [smem:$0x3FB8];
	_ =	sdelay $0x3  }
0x33: {  	p0 =	seq.s32 s10, $0x1;
	s10 =	sld [smem:$0x3FBA];
	_ =	sdelay $0x3  }
0x34: {  	[smem:$0x3FBA] =	sst s10  }
0x35: {  	s10 =	sld [smem:$0x3FB9];
	_ =	sdelay $0x3  }
0x36: {  	p1 =	seq.s32 s10, $0x1;
	s10 =	sld [smem:$0x3FBA];
	_ =	sdelay $0x3  }
0x37: {  	[smem:$0x3FBA] =	sst s10  }
0x38: {  	s10 =	sld [smem:$0x3FBB]  }
0x39: {  	_ = 	snop;
	(pc) =	sbr.ind lr, $3  }
0x3a: {  	_ = 	snop  }
0x3b: {  	_ = 	snop  }
0x3c: {  	p2 =	seq.s32 s10, $0x1;
	s10 =	sld [smem:$0x3FBA]  }
0x3d: {  	_ =	shalt  }
0x3e: {  	_ =	shalt  }
0x3f: {  	_ =	shalt  }
0x40: {  	_ =	shalt  }
0x41: {  	_ =	shalt  }
0x42: {  	_ =	shalt  }
0x43: {  	_ =	shalt  }
0x44: {  	_ =	shalt  }
0x45: {  	_ =	shalt  }
0x46: {  	_ =	shalt  }
0x47: {  	_ =	shalt  }
0x48: {  	_ =	shalt  }
0x49: {  	_ =	shalt  }
0x4a: {  	_ =	shalt  }
0x4b: {  	_ =	shalt  }
0x4c: {  	_ =	shalt  }
0x4d: {  	_ =	shalt  }
0x4e: {  	_ =	shalt  }
0x4f: {  	_ =	shalt  }
0x50: {  	_ =	shalt  }
0x51: {  	_ =	shalt  }
0x52: {  	_ =	shalt  }
0x53: {  	_ =	shalt  }
0x54: {  	_ =	shalt  }
0x55: {  	_ =	shalt  }
0x56: {  	_ =	shalt  }
0x57: {  	_ =	shalt  }
0x58: {  	_ =	shalt  }
0x59: {  	_ =	shalt  }
0x5a: {  	_ =	shalt  }
0x5b: {  	_ =	shalt  }
0x5c: {  	_ =	shalt  }
0x5d: {  	_ =	shalt  }
0x5e: {  	_ =	shalt  }
0x5f: {  	_ =	shalt  }
0x60: {  	_ =	shalt  }
0x61: {  	_ =	shalt  }
0x62: {  	_ =	shalt  }
0x63: {  	_ =	shalt  }
0x64: {  	_ =	shalt  }
0x65: {  	_ =	shalt  }
0x66: {  	_ =	shalt  }
0x67: {  	_ =	shalt  }
0x68: {  	_ =	shalt  }
0x69: {  	_ =	shalt  }
0x6a: {  	_ =	shalt  }
0x6b: {  	_ =	shalt  }
0x6c: {  	_ =	shalt  }
0x6d: {  	_ =	shalt  }
0x6e: {  	_ =	shalt  }
0x6f: {  	_ =	shalt  }
0x70: {  	_ =	shalt  }
0x71: {  	_ =	shalt  }
0x72: {  	_ =	shalt  }
0x73: {  	_ =	shalt  }
0x74: {  	_ =	shalt  }
0x75: {  	_ =	shalt  }
0x76: {  	_ =	shalt  }
0x77: {  	_ =	shalt  }
0x78: {  	_ =	shalt  }
0x79: {  	_ =	shalt  }
0x7a: {  	_ =	shalt  }
0x7b: {  	_ =	shalt  }
0x7c: {  	_ =	shalt  }
0x7d: {  	_ =	shalt  }
0x7e: {  	_ =	shalt  }
0x7f: {  	_ =	shalt  }
0x80: {  	_ =	shalt  }
0x81: {  	_ =	shalt  }
0x82: {  	_ =	shalt  }
0x83: {  	_ =	shalt  }
0x84: {  	_ =	shalt  }
0x85: {  	_ =	shalt  }
0x86: {  	_ =	shalt  }
0x87: {  	_ =	shalt  }
.Lfunc_end0:
.L_simem_size_0:
called_computation_lowered:
.L_overlay_start_0:
0x88: {  	s2 =	sld [smem:$0x3FD9]  }
0x89: {  	s3 =	sld [smem:$0x3FFE];
	_ =	sdelay $0x1  }
0x8a: {  	s1 =	srdreg.scid  }
0x8b: {  	s0 =	sand.u32 $0x1, s1  }
0x8c: {  	s17 =	sshll.u32 s0, $0xA;
	s2 =	sadd.s32 s3, s2  }
0x8d: {  	s2 =	sadd.s32 s2, s17  }
0x8e: {  	[smem:$0x3FC6] =	sst s2  }
0x8f: {  	_ = 	snop  }
0x90: {  	s2 =	sld [smem:$0x3FC9]  }
0x91: {  	s18 =	sld [smem:$0x3FC8]  }
0x92: {  	s4 =	sld [smem:$0x3FD0];
	(tm) =	ssettm $0x1  }
0x93: {  	s5 =	sld [smem:$0x3FFB];
	_ =	sdelay $0x3  }
0x94: {  	_ =	strace s5  }
0x95: {  	s5 =	sld [smem:$0x3FFC];
	_ =	sdelay $0x3  }
0x96: {  	_ =	strace s5  }
0x97: {  	s5 =	sld [smem:$0x3FFD];
	_ =	sdelay $0x3  }
0x98: {  	_ =	strace s5  }
0x99: {  	_ =	strace $0x8FFFFFFF  }
0x9a: {  	s19 =	sld [smem:$0x3FDB];
	_ =	sdelay $0x1  }
0x9b: {  	s6 =	simm.s32 $_scs_section_size  }
0x9c: {  	s7 =	simm.s32 $_size__tile_overlayer_lowered;
	s8 =	simm.s32 $_tile_overlayer_lowered  }
0x9d: {  	s22 =	simm.s32 $0x1BFF;
	s21 =	sshll.u32 s8, $0x1;
	s5 =	sadd.s32 s6, s19  }
0x9e: {  	s9 =	simm.s32 $0x0;
	s20 =	sshll.u32 s7, $0x1;
	s7 =	sadd.s32 s21, s5  }
0x9f: {  	[timem:s9], [sflag:s22] =	dma.local [hbm:s7], s20  }
0xa0: {  	_ =	swait.ge [sflag:s22], s20  }
0xa1: {  	s6 =	ssub.s32 $0x0, s20;
	[sflag:s22] =	ssyncset.done $0x0  }
0xa2: {  	[sflag:s22] =	ssyncadd.s32 s6;
	_ =	sdelay $0x1  }
0xa3: {  	s23 =	simm.s32 $0x1B8B  }
0xa4: {  	_ =	swait.ge [sflag:s23], $0x1  }
0xa5: {  	[sflag:s23] =	ssyncset.done $0x0  }
0xa6: {  	s25 =	simm.s32 $0x1B8E;
	s24 =	sld [smem:$0x3FFE];
	[sflag:s23] =	ssyncadd.s32 $0xFFFFFFFF  }
0xa7: {  	s26 =	simm.s32 $execute0_lowered;
	[smem:$0x3FD2] =	sst s25  }
0xa8: {  	s7 =	sshll.u32 s26, $0x1;
	_ =	strace $0x80000046;
	[dreg:$0x1] =	wrdreg $0xFFFFFFFF  }
0xa9: {  	s28 =	simm.s32 $_size_execute0_lowered;
	s5 =	sadd.s32 s5, s7;
	[dreg:$0x0] =	wrdreg $0x0  }
0xaa: {  	s7 =	sshll.u32 s28, $0x1;
	[dreg:$0x2] =	wrdreg s5  }
0xab: {  	[dreg:$0x3] =	wrdreg s7  }
0xac: {  	[dreg:$0x4] =	wrdreg $0xC0  }
0xad: {  	_ =	task [dreg:s9], $0x5FFFF  }
0xae: {  	[dreg:$0x1] =	wrdreg $0xFFFFFFFF  }
0xaf: {  	[dreg:$0x0] =	wrdreg $0x60  }
0xb0: {  	[dreg:$0x2] =	wrdreg s2  }
0xb1: {  	[dreg:$0x3] =	wrdreg s18  }
0xb2: {  	[dreg:$0x4] =	wrdreg s24  }
0xb3: {  	[dreg:$0x5] =	wrdreg s4  }
0xb4: {  	[dreg:$0x6] =	wrdreg $0x41800  }
0xb5: {  	[dreg:$0x7] =	wrdreg $0x9  }
0xb6: {  	_ =	task.clear_ibuf [dreg:s9], $0x8FFFF;
	_ =	strace $0x90000046  }
0xb7: {  	s29 =	simm.s32 $0x9;
	_ =	strace $0x80000048  }
0xb8: {  	_ =	swait.ge [sflag:s29], $0x1  }
0xb9: {  	[sflag:s29] =	ssyncadd.s32 $0xFFFFFFFF  }
0xba: {  	_ =	strace $0x90000048  }
0xbb: {  	_ =	sfence  }
0xbc: {  	s30 =	sld [smem:$0x0];
	_ =	sdelay $0x2  }
0xbd: {  	s31 =	sshll.u32 s1, $0xD;
	s1 =	sshrl.u32 s1, $0x2  }
0xbe: {  	s3 =	sand.u32 $0x4000, s31;
	s1 =	sadd.s32 s1, s30  }
0xbf: {  	s0 =	sor.u32 s3, s0;
	s1 =	sshll.u32 s1, $0x11  }
0xc0: {  	s0 =	sor.u32 s1, s0  }
0xc1: {  	s0 =	sadd.s32 $0x8F2B, s0  }
0xc2: {  	[sflag:s0] =	ssyncadd.remote.s32 $0x1  }
0xc3: {  	_ =	sfence.sel $0xFFFF  }
0xc4: {  	[dreg:$0x0] =	wrdreg $0xFFFFFFFF;
	(pc) =	sbr.abs _section_cstart, $3  }
0xc5: {  	[dreg:$0x1] =	wrdreg $0xFFFFFFFF  }
0xc6: {  	_ =	task.clear_ibuf [dreg:s9], $0x2FFFF;
	_ =	strace $0x9FFFFFFF  }
0xc7: {  	(tm) =	ssettm $0x7FFFFFFF  }
tec
execute0_lowered:
.L_overlay_start_1:
0x0: {  	(tag) =	ssettag $0x1  }
0x1: {  	s1 =	rddreg [dreg:$0x0]  }
0x2: {  	s2 =	rddreg [dreg:$0x1]  }
0x3: {  	s7 =	rddreg [dreg:$0x2]  }
0x4: {  	s8 =	rddreg [dreg:$0x3]  }
0x5: {  	s3 =	rddreg [dreg:$0x4]  }
0x6: {  	s0 =	rddreg [dreg:$0x5];
	s5 =	simm.s32 $0x0;
	s4 =	srdreg.scid  }
0x7: {  	[smem:$0x7FF] =	sst s5;
	s13 =	sand.u32 $0x1, s4  }
0x8: {  	s17 =	simm.s32 $0x0;
	s4 =	stileid.u32;
	s15 =	smul.u32 $0x1388, s13  }
0x9: {  	s6 =	sadd.s32 $0x800, s7;
	s7 =	sadd.s32 $0xA00, s7;
	s10 =	smul.u32 $0x27000, s4  }
0xa: {  	_ =	strace $0x80000047;
	s9 =	ssub.s32 $0x2, s13;
	s12 =	smul.u32 $0x138, s4  }
0xb: {  	p0 =	seq.s32 s4, $0xF;
	p1 =	seq.s32 s13, $0x0;
	s11 =	sshrl.u32 s9, $0x1  }
0xc: {  	s13 =	simm.s32 $0x1;
	s9 =	ssub.s32 s9, s11;
	s10 =	sshrl.u32 s10, $0x2  }
.Ltmp0:
0xd: {  	s31 =	sadd.s32 s12, s15;
	s16 =	sadd.s32 $0x1388, s15;
	(pc) =	sbr.rel .LBB2_1-.Ltmp0, $4  }
0xe: {  	v0 =	vmov s15;
	s15 =	simm.s32 $0x80;
	s14 =	sadd.s32 s10, s3;
	s10 =	sadd.s32 $0x92400, s3  }
0xf: {  	s11 =	sshll.u32 s31, $0x4;
	s9 =	smax.u32 s9, $0x1;
	v1 =	vmov s16;
	s16 =	simm.s32 $0x100  }
0x10: {  	s8 =	sadd.s32 s8, s11;
	s11 =	sshll.u32 @!p0 s4, $0x6;
	s10 =	sshrl.u32 @p0 s10, $0x3  }
0x11: {  	s12 =	sshrl.u32 @!p0 s14, $0x3;
	s14 =	simm.s32 $0x180;
	s11 =	sor.u32 @!p0 $0x1C01, s11  }
.LBB2_4:
0x12: {  	vm0 =	vlt.s32 v5, $0x270F  }
0x13: {  	vm9 =	vlt.s32 v3, $0x270F;
	vm1 =	vlt.s32 v4, $0x270F;
	vm10 =	vlt.s32 v2, $0x270F  }
0x14: {  	v6 =	vld [tilespmem:$0xC0];
	v5 =	vnsel vm0, $0x270F, v5;
	v3 =	vnsel vm9, $0x270F, v3;
	v4 =	vnsel vm1, $0x270F, v4  }
0x15: {  	v7 =	vld [tilespmem:$0x90];
	v2 =	vnsel vm10, $0x270F, v2;
	vm2 =	vlt.s32 v5, v1;
	vm0 =	vge.s32 v3, v0  }
0x16: {  	v8 =	vld [tilespmem:$0xE0];
	vm3 =	vlt.s32 v4, v1;
	vm4 =	vge.s32 v5, v0;
	v5 =	vsub.s32 v5, v0  }
0x17: {  	v9 =	vld [tilespmem:$0x80];
	vm5 =	vge.s32 v4, v0;
	v4 =	vsub.s32 v4, v0;
	vm13 =	vlt.s32 v3, v1  }
0x18: {  	v3 =	vsub.s32 v3, v0;
	vm7 =	vge.s32 v2, v0;
	vm14 =	vlt.s32 v2, v1  }
0x19: {  	v2 =	vsub.s32 v2, v0;
	vm2 =	vmand vm4, vm2;
	vm3 =	vmand vm5, vm3  }
0x1a: {  	vm0 =	vmand vm0, vm13;
	v5 =	vnsel vm2, $0x1388, v5;
	v4 =	vnsel vm3, $0x1388, v4  }
0x1b: {  	v3 =	vnsel vm0, $0x1388, v3;
	vm11 =	vlt.s32 v6, $0x270F;
	vm12 =	vlt.s32 v7, $0x270F  }
0x1c: {  	vm6 =	vlt.s32 v8, $0x270F;
	vm8 =	vlt.s32 v9, $0x270F;
	v6 =	vnsel vm11, $0x270F, v6  }
0x1d: {  	v8 =	vnsel vm6, $0x270F, v8;
	v9 =	vnsel vm8, $0x270F, v9;
	vm6 =	vmand vm7, vm14  }
0x1e: {  	v61 =	vnsel vm12, $0x270F, v7;
	vm1 =	vlt.s32 v6, v1;
	vm15 =	vlt.s32 v8, v1  }
0x1f: {  	[tilespmem:$0x120] =	vst v5;
	vm8 =	vlt.s32 v9, v1;
	vm10 =	vge.s32 v8, v0;
	vm11 =	vge.s32 v9, v0  }
0x20: {  	[tilespmem:$0x150] =	vst v4;
	v8 =	vsub.s32 v8, v0;
	v59 =	vsub.s32 v9, v0;
	v2 =	vnsel vm6, $0x1388, v2  }
0x21: {  	[tilespmem:$0x130] =	vst v3;
	v62 =	vsub.s32 v6, v0;
	vm12 =	vge.s32 v61, v0;
	vm3 =	vmand vm11, vm8  }
0x22: {  	vm13 =	vge.s32 v6, v0;
	[tilespmem:$0x170] =	vst v2;
	vm14 =	vmand vm10, vm15;
	v60 =	vnsel vm3, $0x1388, v59  }
0x23: {  	vm15 =	vlt.s32 v61, v1;
	vm1 =	vmand vm13, vm1;
	v2 =	vnsel vm14, $0x1388, v8;
	[tilespmem:$0x100] =	vst v60  }
0x24: {  	v3 =	vsub.s32 v61, v0;
	vm0 =	vmand vm12, vm15;
	v63 =	vnsel vm1, $0x1388, v62;
	[tilespmem:$0x160] =	vst v2  }
0x25: {  	v2 =	vnsel vm0, $0x1388, v3;
	[tilespmem:$0x140] =	vst v63  }
0x26: {  	[tilespmem:$0x110] =	vst v2  }
0x27: {  	[spmem:s3] =	stream.indirect.scatter.add.f32 [tilespmem:s14], [sflag:$0x1], $0x80, s16, s15, $0xb8;
	[tilespmem:$0xDE00] =	vst v63  }
0x28: {  	_ =	swait.ge [sflag:s13], $0x4000  }
0x29: {  	[sflag:s13] =	ssyncset.done $0x0  }
0x2a: {  	[sflag:s13] =	ssyncadd.s32 $0xFFFFC000  }
.LBB2_5:
0x2b: {  	[bflag:$0x0] =	sbarrier.arrive $0xFFFF  }
0x2c: {  	[hbm:s8], [sflag:s20] =	dma.local @p0 [spmem:s10], $0x1400  }
0x2d: {  	s17 =	sadd.s32 $0x1, s17;
	_ =	swait.ge @p0 [sflag:s19], $0x1400  }
0x2e: {  	p2 =	sne.s32 s17, s9;
	[sflag:s19] =	ssyncset.done @p0 $0x0  }
.Ltmp1:
0x2f: {  	[sflag:s19] =	ssyncadd.s32 @p0 $0xFFFFEC00;
	(pc) =	sbr.rel @!p2 .LBB2_6-.Ltmp1, $4  }
0x30: {  	[hbm:s8], [sflag:s11] =	dma.local @!p0 [spmem:s12], $0x1380  }
0x31: {  	_ =	swait.ge @!p0 [sflag:s18], $0x1380  }
0x32: {  	[sflag:s18] =	ssyncset.done @!p0 $0x0  }
0x33: {  	[sflag:s18] =	ssyncadd.s32 @!p0 $0xFFFFEC80  }
.LBB2_1:
0x34: {  	s20 =	simm.s32 @p0 $0x1FC1;
	s19 =	simm.s32 @p0 $0x1  }
0x35: {  	[spmem:s10], [sflag:s20] =	dma.local @p0 [hbm:s7], $0x1400  }
0x36: {  	_ =	swait.ge @p0 [sflag:s19], $0x1400  }
0x37: {  	[sflag:s19] =	ssyncset.done @p0 $0x0  }
0x38: {  	s18 =	simm.s32 @!p0 $0x1;
	[sflag:s19] =	ssyncadd.s32 @p0 $0xFFFFEC00  }
0x39: {  	[spmem:s12], [sflag:s11] =	dma.local @!p0 [hbm:s7], $0x1380  }
0x3a: {  	_ =	swait.ge @!p0 [sflag:s18], $0x1380  }
0x3b: {  	[sflag:s18] =	ssyncset.done @!p0 $0x0  }
0x3c: {  	[sflag:s18] =	ssyncadd.s32 @!p0 $0xFFFFEC80  }
0x3d: {  	[tilespmem:s5], [sflag:$0x1] =	stream.linear.gather [hbm4b:s6+s5], $0x80, $0x38;
	[tilespmem:$0xDE00] =	vst v63  }
0x3e: {  	_ =	swait.ge [sflag:s13], $0x80  }
0x3f: {  	[sflag:s13] =	ssyncset.done $0x0  }
0x40: {  	[sflag:s13] =	ssyncadd.s32 $0xFFFFFF80  }
0x41: {  	v2 =	vld [tilespmem:$0x0];
	_ =	sdelay $0x4  }
0x42: {  	(v2sf) =	vpush v2, $0x2  }
0x43: {  	(v2sf) =	vpush v2, $0x1  }
0x44: {  	(v2sf) =	vpush v2, $0x3;
	_ =	sdelay $0xc  }
0x45: {  	s21 =	spop (v2sf)  }
0x46: {  	s22 =	spop (v2sf)  }
0x47: {  	s21 =	simm.s32 @p1 $0x0;
	s23 =	spop (v2sf)  }
0x48: {  	s23 =	smov.u32 @p1 s22;
	s22 =	sadd.s32 s4, s21  }
0x49: {  	s21 =	ssub.s32 s23, s22  }
0x4a: {  	s21 =	sadd.s32 $0xF, s21  }
0x4b: {  	p2 =	sgt.s32 s21, $0x0  }
0x4c: {  	p3 =	slt.s32 s21, $0x1;
	s21 =	simm.s32 @!p2 $0x0  }
0x4d: {  	s31 =	sand.u32 $0xF, s21  }
0x4e: {  	p6 =	sne.s32 s31, $0x0  }
0x4f: {  	p2 =	por !p3, !p6  }
0x50: {  	s23 =	simm.s32 $0x1;
	p2 =	por !p2, !p2  }
0x51: {  	s21 =	sshrl.u32 s21, $0x4;
	s23 =	simm.s32 @!p2 $0x0  }
0x52: {  	s23 =	ssub.s32 s21, s23  }
0x53: {  	p2 =	slt.s32 s23, $0x1  }
.Ltmp2:
0x54: {  	_ = 	snop;
	(pc) =	sbr.rel @p2 .LBB2_5-.Ltmp2, $2  }
0x55: {  	_ =	sdelay $0x1  }
0x56: {  	[bflag:$0x0] =	sbarrier.arrive $0xFFFF;
	_ =	sdelay $0x1  }
0x57: {  	s21 =	sshll.u32 s22, $0xB  }
0x58: {  	s21 =	sadd.s32 s21, s1  }
0x59: {  	[tilespmem:s14], [sflag:$0x1] =	stream.linear.gather [hbm4b:s21+s5], $0x4000, $0x38;
	[tilespmem:$0xDE00] =	vst v63  }
0x5a: {  	s22 =	sshll.u32 s22, $0x7;
	_ =	swait.ge [sflag:s13], $0x4000  }
0x5b: {  	s24 =	sshrl.u32 s22, $0x3;
	[sflag:s13] =	ssyncset.done $0x0  }
0x5c: {  	s24 =	sadd.s32 s2, s24;
	[sflag:s13] =	ssyncadd.s32 $0xFFFFC000  }
0x5d: {  	[tilespmem:s15], [sflag:$0x1] =	stream.linear.gather [hbm4b:s24+s5], $0x80, $0x38;
	[tilespmem:$0xDE00] =	vst v63  }
0x5e: {  	_ =	swait.ge [sflag:s13], $0x80  }
0x5f: {  	[sflag:s13] =	ssyncset.done $0x0  }
0x60: {  	s23 =	ssub.s32 $0x0, s23;
	[sflag:s13] =	ssyncadd.s32 $0xFFFFFF80  }
0x61: {  	s23 =	sadd.s32 $0x1, s23;
	v3 =	vld [tilespmem:$0xB0]  }
0x62: {  	p2 =	seq.s32 s23, $0x0;
	v5 =	vld [tilespmem:$0xA0]  }
.Ltmp3:
0x63: {  	v4 =	vld [tilespmem:$0xD0];
	(pc) =	sbr.rel @p2 .LBB2_4-.Ltmp3, $1  }
0x64: {  	v2 =	vld [tilespmem:$0xF0];
	_ =	sdelay $0x3  }
.LBB2_3:
0x65: {  	s23 =	sadd.s32 $0x1, s23;
	v6 =	vld [tilespmem:$0xE0];
	s21 =	sadd.s32 $0x8000, s21;
	s22 =	sadd.s32 $0x800, s22  }
0x66: {  	p2 =	seq.s32 s23, $0x0;
	v7 =	vld [tilespmem:$0xC0]  }
0x67: {  	vm0 =	vlt.s32 v5, $0x270F;
	v8 =	vld [tilespmem:$0x90]  }
0x68: {  	vm1 =	vlt.s32 v4, $0x270F;
	v5 =	vnsel vm0, $0x270F, v5;
	vm0 =	vlt.s32 v3, $0x270F  }
0x69: {  	v4 =	vnsel vm1, $0x270F, v4;
	vm1 =	vlt.s32 v2, $0x270F;
	v3 =	vnsel vm0, $0x270F, v3  }
0x6a: {  	vm2 =	vlt.s32 v5, v1;
	vm3 =	vlt.s32 v4, v1;
	vm0 =	vge.s32 v3, v0  }
0x6b: {  	vm4 =	vge.s32 v5, v0;
	v5 =	vsub.s32 v5, v0;
	vm5 =	vge.s32 v4, v0;
	v9 =	vld [tilespmem:$0x80]  }
0x6c: {  	v4 =	vsub.s32 v4, v0;
	vm2 =	vmand vm4, vm2;
	vm4 =	vlt.s32 v7, $0x270F  }
0x6d: {  	v2 =	vnsel vm1, $0x270F, v2;
	v5 =	vnsel vm2, $0x1388, v5;
	v7 =	vnsel vm4, $0x270F, v7  }
0x6e: {  	vm2 =	vlt.s32 v8, $0x270F;
	vm4 =	vlt.s32 v3, v1;
	v3 =	vsub.s32 v3, v0  }
0x6f: {  	vm7 =	vge.s32 v2, v0;
	vm6 =	vlt.s32 v6, $0x270F;
	vm1 =	vlt.s32 v7, v1  }
0x70: {  	v6 =	vnsel vm6, $0x270F, v6;
	vm6 =	vlt.s32 v2, v1;
	vm8 =	vlt.s32 v9, $0x270F  }
0x71: {  	vm3 =	vmand vm5, vm3;
	vm5 =	vlt.s32 v6, v1;
	v9 =	vnsel vm8, $0x270F, v9  }
0x72: {  	vm9 =	vge.s32 v6, v0;
	vm6 =	vmand vm7, vm6;
	vm8 =	vlt.s32 v9, v1;
	[tilespmem:$0x120] =	vst v5  }
0x73: {  	v4 =	vnsel vm3, $0x1388, v4;
	vm7 =	vge.s32 v9, v0;
	v5 =	vsub.s32 v6, v0  }
0x74: {  	v2 =	vsub.s32 v2, v0;
	v6 =	vsub.s32 v9, v0;
	vm3 =	vmand vm7, vm8;
	[tilespmem:$0x150] =	vst v4  }
0x75: {  	vm0 =	vmand vm0, vm4;
	v2 =	vnsel vm6, $0x1388, v2;
	v4 =	vnsel vm3, $0x1388, v6  }
0x76: {  	v3 =	vnsel vm0, $0x1388, v3;
	v6 =	vnsel vm2, $0x270F, v8;
	v8 =	vsub.s32 v7, v0;
	[tilespmem:$0x170] =	vst v2  }
0x77: {  	vm2 =	vge.s32 v7, v0;
	vm3 =	vmand vm9, vm5;
	vm0 =	vge.s32 v6, v0;
	[tilespmem:$0x100] =	vst v4  }
0x78: {  	vm4 =	vlt.s32 v6, v1;
	vm1 =	vmand vm2, vm1;
	v2 =	vnsel vm3, $0x1388, v5;
	[tilespmem:$0x130] =	vst v3  }
0x79: {  	vm0 =	vmand vm0, vm4;
	v4 =	vnsel vm1, $0x1388, v8;
	v3 =	vsub.s32 v6, v0;
	[tilespmem:$0x160] =	vst v2  }
0x7a: {  	v2 =	vnsel vm0, $0x1388, v3;
	[tilespmem:$0x140] =	vst v4  }
0x7b: {  	[tilespmem:$0x110] =	vst v2  }
0x7c: {  	[spmem:s3] =	stream.indirect.scatter.add.f32 [tilespmem:s14], [sflag:$0x1], $0x80, s16, s15, $0xb8;
	[tilespmem:$0xDE00] =	vst v63  }
0x7d: {  	_ =	swait.ge [sflag:s13], $0x4000  }
0x7e: {  	[sflag:s13] =	ssyncset.done $0x0  }
0x7f: {  	[sflag:s13] =	ssyncadd.s32 $0xFFFFC000  }
0x80: {  	[tilespmem:s14], [sflag:$0x1] =	stream.linear.gather [hbm4b:s21+s5], $0x4000, $0x38;
	[tilespmem:$0xDE00] =	vst v63  }
0x81: {  	_ =	swait.ge [sflag:s13], $0x4000  }
0x82: {  	s24 =	sshrl.u32 s22, $0x3;
	[sflag:s13] =	ssyncset.done $0x0  }
0x83: {  	s24 =	sadd.s32 s2, s24;
	[sflag:s13] =	ssyncadd.s32 $0xFFFFC000  }
0x84: {  	[tilespmem:s15], [sflag:$0x1] =	stream.linear.gather [hbm4b:s24+s5], $0x80, $0x38;
	[tilespmem:$0xDE00] =	vst v63  }
0x85: {  	_ =	swait.ge [sflag:s13], $0x80  }
0x86: {  	[sflag:s13] =	ssyncset.done $0x0  }
.Ltmp4:
0x87: {  	[sflag:s13] =	ssyncadd.s32 $0xFFFFFF80;
	(pc) =	sbr.rel @!p2 .LBB2_3-.Ltmp4, $4  }
0x88: {  	v3 =	vld [tilespmem:$0xB0]  }
0x89: {  	v5 =	vld [tilespmem:$0xA0]  }
0x8a: {  	v4 =	vld [tilespmem:$0xD0]  }
0x8b: {  	v2 =	vld [tilespmem:$0xF0]  }
.Ltmp5:
0x8c: {  	_ = 	snop;
	(pc) =	sbr.rel .LBB2_4-.Ltmp5, $1  }
0x8d: {  	_ =	sdelay $0x3  }
.LBB2_6:
0x8e: {  	_ =	sfence.sel $0x180000  }
0x8f: {  	[bflag:$0x0] =	sbarrier.arrive $0xFFFF  }
0x90: {  	p0 =	sne.s32 s4, $0x0;
	_ =	strace $0x90000047  }
0x91: {  	s0 =	sadd.s32 @!p0 $0x100000, s0;
	[bflag:$0x2] =	sbarrier.arrive $0xFFFF  }
0x92: {  	[sflag:s0] =	ssyncadd.tile.s32 @!p0 $0x1;
	_ =	shalt  }
.Lfunc_end2:
_tile_overlayer_lowered:
.L_overlay_start_2:
0x93: {  	(tag) =	ssettag $0x2  }
0x94: {  	s0 =	rddreg [dreg:$0x0];
	s2 =	stileid.u32  }
0x95: {  	s1 =	rddreg [dreg:$0x1];
	p0 =	sne.s32 s2, $0x0  }
0x96: {  	s3 =	rddreg [dreg:$0x2];
	[bflag:$0x3] =	sbarrier.arrive $0xFFFF;
	s2 =	simm.s32 @!p0 $0x1C01  }
0x97: {  	[timem:s3], [sflag:s2] =	dma.local @!p0 [hbm:s0], s1  }
0x98: {  	s0 =	simm.s32 @!p0 $0x1  }
0x99: {  	_ =	swait.ge @!p0 [sflag:s0], s1  }
0x9a: {  	s1 =	ssub.s32 @!p0 $0x0, s1;
	[sflag:s0] =	ssyncset.done @!p0 $0x0  }
0x9b: {  	[sflag:s0] =	ssyncadd.s32 @!p0 s1  }
0x9c: {  	[bflag:$0x3] =	sbarrier.arrive $0xFFFF  }
0x9d: {  	_ =	shalt  }

</sc_bundles>
